<compile_context>
chip_gen: v7x
topology: tpu7x:2x2x1
jax: 0.10.2.dev20260603
libtpu: 0.0.44.dev20260713+nightly
codegen_flags: <defaults>
</compile_context>

<pallas_src>
import functools

import jax
import jax.numpy as jnp
from jax import lax
from jax.experimental import pallas as pl
from jax.experimental.pallas import tpu as pltpu
from jax.experimental.pallas import tpu_sc as plsc

_FIELD_NUM = 26
_DIM = 30
_PDIM = 32
_NUM_REGIONS = 5
_EPS = 1e-5

_NC, _NS = 2, 16
_NW = _NC * _NS
_CHUNK = 128

_RB = 4096
_PACK = 128 // _PDIM


_CB = 2048


def _repack_body(in0, in1, in2, in3, out_ref):
    z = jnp.zeros((_PDIM - _DIM, _CB), jnp.float32)
    x4 = jnp.concatenate(
        [in0[...], z, in1[...], z, in2[...], z, in3[...], z], axis=0)
    out_ref[...] = jnp.transpose(x4)


def _repack(table_t, p3, quarter):
    nb = quarter // _CB
    specs = [
        pl.BlockSpec((_DIM, _CB), lambda c, m=m: (0, c + m * nb))
        for m in range(_PACK - 1)
    ]
    specs.append(pl.BlockSpec((_DIM, _CB), lambda c: (0, c)))
    return pl.pallas_call(
        _repack_body,
        grid=(nb,),
        in_specs=specs,
        out_specs=pl.BlockSpec((_CB, 128), lambda c: (c, 0)),
        out_shape=jax.ShapeDtypeStruct((quarter, 128), jnp.float32),
    )(table_t, table_t, table_t, p3)


def _sc_gather(xlin, ids_flat, quarter):
    n = ids_flat.shape[0]
    rows_per_w = n // _NW
    nchunks = rows_per_w // _CHUNK
    mesh = plsc.VectorSubcoreMesh(core_axis_name="c", subcore_axis_name="s")

    @functools.partial(
        pl.kernel,
        mesh=mesh,
        out_type=jax.ShapeDtypeStruct((n, _PDIM), jnp.float32),
        compiler_params=pltpu.CompilerParams(use_tc_tiling_on_sc=False),
        scratch_types=[
            pltpu.VMEM((rows_per_w,), jnp.int32),
            pltpu.VMEM((rows_per_w, _PDIM), jnp.float32),
            pltpu.SemaphoreType.DMA,
        ],
    )
    def k(table_hbm, ids_hbm, out_hbm, idx_v, rows_v, sem):
        wid = lax.axis_index("s") * _NC + lax.axis_index("c")
        base = wid * rows_per_w
        pltpu.sync_copy(ids_hbm.at[pl.ds(base, rows_per_w)], idx_v)

        copies = []
        for j in range(nchunks):
            copies.append(pltpu.async_copy(
                table_hbm.at[idx_v.at[pl.ds(j * _CHUNK, _CHUNK)]],
                rows_v.at[pl.ds(j * _CHUNK, _CHUNK)],
                sem,
            ))
        for c in copies:
            c.wait()
        pltpu.sync_copy(rows_v, out_hbm.at[pl.ds(base, rows_per_w)])

    return k(xlin, ids_flat)


def _tc_normalize_body(x_ref, w_ref, o_ref):
    xx = x_ref[...]
    b = x_ref.shape[0]
    cdim = _FIELD_NUM * _DIM
    s = jnp.sum(xx, axis=0, keepdims=True)
    ss = jnp.sum(xx * xx, axis=0, keepdims=True)

    c_i = lax.broadcasted_iota(jnp.int32, (cdim, _FIELD_NUM), 0)
    f_i = lax.broadcasted_iota(jnp.int32, (cdim, _FIELD_NUM), 1)
    g = (c_i // _DIM == f_i).astype(jnp.float32)

    cnt = float(b * _DIM)
    sum_f = jnp.dot(s, g, preferred_element_type=jnp.float32,
                    precision=lax.Precision.HIGHEST)
    ss_f = jnp.dot(ss, g, preferred_element_type=jnp.float32,
                    precision=lax.Precision.HIGHEST)
    mean_f = sum_f / cnt
    var_f = ss_f / cnt - mean_f * mean_f
    rstd_f = lax.rsqrt(var_f + _EPS)
    mean_c = jnp.dot(mean_f, g.T, preferred_element_type=jnp.float32,
                    precision=lax.Precision.HIGHEST)
    rstd_c = jnp.dot(rstd_f, g.T, preferred_element_type=jnp.float32,
                    precision=lax.Precision.HIGHEST)

    wdim = _FIELD_NUM * _NUM_REGIONS
    e = jnp.exp(w_ref[...])
    q_i = lax.broadcasted_iota(jnp.int32, (wdim, _FIELD_NUM), 0)
    f2_i = lax.broadcasted_iota(jnp.int32, (wdim, _FIELD_NUM), 1)
    q = (q_i // _NUM_REGIONS == f2_i).astype(jnp.float32)
    den_f = jnp.dot(e, q, preferred_element_type=jnp.float32,
                    precision=lax.Precision.HIGHEST)
    den_c = jnp.dot(den_f, q.T, preferred_element_type=jnp.float32,
                    precision=lax.Precision.HIGHEST)
    w_n = e / den_c

    qq = lax.broadcasted_iota(jnp.int32, (wdim, cdim), 0)
    cc = lax.broadcasted_iota(jnp.int32, (wdim, cdim), 1)
    d = cc % _DIM
    rid = (1 + (d >= 2).astype(jnp.int32) + (d >= 6).astype(jnp.int32)
           + (d >= 14).astype(jnp.int32))
    kmat = ((qq // _NUM_REGIONS == cc // _DIM)
            & (qq % _NUM_REGIONS == rid)).astype(jnp.float32)
    scale_c = jnp.dot(w_n, kmat, preferred_element_type=jnp.float32,
                    precision=lax.Precision.HIGHEST)

    o_ref[...] = (xx - mean_c) * (rstd_c * scale_c)


def _tc_normalize(x, w_flat):
    return pl.pallas_call(
        _tc_normalize_body,
        out_shape=jax.ShapeDtypeStruct(x.shape, jnp.float32),
    )(x, w_flat)


def kernel(input_ids, emb_table, field_region_weights):
    b, f = input_ids.shape
    v = emb_table.shape[0]
    quarter = ((v + _PACK * _CB - 1) // (_PACK * _CB)) * _CB
    table_t = emb_table.T
    p3 = jnp.pad(table_t[:, (_PACK - 1) * quarter:],
                 ((0, 0), (0, _PACK * quarter - v)))
    packed = _repack(table_t, p3, quarter)
    xlin = packed.reshape(quarter * _PACK, _PDIM)
    ids_flat = input_ids.reshape(-1)
    ids_remap = (ids_flat % quarter) * _PACK + ids_flat // quarter
    gathered = _sc_gather(xlin, ids_remap, quarter)
    x = gathered[:, :_DIM].reshape(b, f * _DIM)
    w_flat = field_region_weights.reshape(1, f * _NUM_REGIONS)
    y = _tc_normalize(x, w_flat)
    return y.reshape(b, f, _DIM)

# --- scband reference (transcript-rebuilt; emitter-appended) ---
"""Pipeline reference for scband-irazor-embedding-70282844831820 (READ-ONLY COPY).

The authoritative reference and input builder live on the scoring server;
editing this copy changes nothing except your own understanding.
"""

import jax, jax.numpy as jnp
import numpy as np

FIELD_NUM = 26
ID_FEAT_SIZE = 1000000
REGIONS_DIMS = [0, 2, 4, 8, 16]
TEMPERATURE = 1.0
BATCH = 4096
ALL_DIM = sum(REGIONS_DIMS)


def _build_region_mask():
    masks = [np.zeros(ALL_DIM, dtype=np.float32)]
    dims_pre_sum = [0] + [sum(REGIONS_DIMS[1:i]) for i in range(2, len(REGIONS_DIMS))]
    for pre_sum, dim in zip(dims_pre_sum, REGIONS_DIMS[1:]):
        m = np.zeros(ALL_DIM, dtype=np.float32)
        m[pre_sum:pre_sum + dim] = 1.0
        masks.append(m)
    return jnp.asarray(np.stack(masks, axis=0))  # [R, ALL_DIM]


def setup_inputs(seed: int = 0) -> dict:
    key = jax.random.key(seed)
    k1, k2, k3 = jax.random.split(key, 3)
    input_ids = jax.random.randint(k1, (BATCH, FIELD_NUM), 0, ID_FEAT_SIZE, dtype=jnp.int32)
    emb_table = jax.random.uniform(k2, (ID_FEAT_SIZE, ALL_DIM), minval=-0.05, maxval=0.05, dtype=jnp.float32)
    field_region_weights = jax.random.normal(k3, (FIELD_NUM, len(REGIONS_DIMS), 1), dtype=jnp.float32) * 0.5
    return {"input_ids": input_ids, "emb_table": emb_table, "field_region_weights": field_region_weights}


def reference(input_ids, emb_table, field_region_weights):
    # Embedding lookup: [B, F, D]
    id_emb = jnp.take(emb_table, input_ids, axis=0)
    # BatchNorm1d(field_num, affine=False) on [N, C, L]: normalize over (N, L) per field channel
    mean = jnp.mean(id_emb, axis=(0, 2), keepdims=True)
    var = jnp.var(id_emb, axis=(0, 2), keepdims=True)
    id_emb = (id_emb - mean) / jnp.sqrt(var + 1e-5)
    # [B, F, 1, D] * [1, 1, R, D] -> [B, F, R, D]
    region_mask = _build_region_mask()
    id_region_emb = id_emb[:, :, None, :] * region_mask[None, None, :, :]
    # softmax over regions: [F, R, 1] -> broadcast [1, F, R, 1]
    w = jax.nn.softmax(field_region_weights / TEMPERATURE, axis=1)
    id_region_emb_out = id_region_emb * w[None, :, :, :]
    id_emb_out = jnp.sum(id_region_emb_out, axis=2)  # [B, F, D]
    return id_emb_out

if __name__ == "__main__":
    import jax
    _d = setup_inputs()
    print(jax.jit(kernel)(*tuple(_d.values())))

</pallas_src>

<mosaic_0001>
#map = affine_map<(d0, d1) -> (0, 0)>
#map1 = affine_map<(d0, d1) -> (0)>
module attributes {stable_mosaic.version = 14 : i64} {
  func.func @k(%arg0: i32, %arg1: i32, %arg2: memref<1007616x32xf32, #tpu.memory_space<hbm>>, %arg3: memref<106496xi32, #tpu.memory_space<hbm>>, %arg4: memref<106496x32xf32, #tpu.memory_space<hbm>>, %arg5: memref<3328xi32, #tpu.memory_space<vmem>>, %arg6: memref<3328x32xf32, #tpu.memory_space<vmem>>, %arg7: memref<!tpu.dma_semaphore, #tpu.memory_space<semaphore_mem>>) attributes {dimension_semantics = [#tpu.dimension_semantics<core_parallel>, #tpu.dimension_semantics<subcore_parallel>], iteration_bounds = array<i64: 2, 16>, scalar_prefetch = 0 : i64, scratch_operands = 3 : i64, tpu.core_type = #tpu.core_type<sc_vector_subcore>, window_params = [{transform_indices = #map}, {transform_indices = #map1}, {transform_indices = #map}]} {
    %mul3A = arith.constant 2 : i32
    %mul3A_0 = arith.muli %arg1, %mul3A : i32
    %add3A = arith.addi %mul3A_0, %arg0 : i32
    %mul3A_1 = arith.constant 3328 : i32
    %mul3A_2 = arith.muli %add3A, %mul3A_1 : i32
    "tpu.region"() ({
      %run_scoped3A = tpu.sem_alloc : memref<!tpu.dma_semaphore, #tpu.memory_space<semaphore_mem>>
      %dma_start3A_417 = tpu.memref_slice %arg3[%mul3A_2] : memref<106496xi32, #tpu.memory_space<hbm>> -> memref<3328xi32, #tpu.memory_space<hbm>>
      %dma_start3A_418 = tpu.memref_slice %arg3[%mul3A_2] : memref<106496xi32, #tpu.memory_space<hbm>> -> memref<3328xi32, #tpu.memory_space<hbm>>
      tpu.enqueue_dma source(%dma_start3A_418 : memref<3328xi32, #tpu.memory_space<hbm>>) target(%arg5 : memref<3328xi32, #tpu.memory_space<vmem>>) target_semaphore(%run_scoped3A : memref<!tpu.dma_semaphore, #tpu.memory_space<semaphore_mem>>)
      %dma_wait3A_419 = tpu.memref_slice %arg3[%mul3A_2] : memref<106496xi32, #tpu.memory_space<hbm>> -> memref<3328xi32, #tpu.memory_space<hbm>>
      %dma_wait3A_420 = tpu.memref_slice %arg3[%mul3A_2] : memref<106496xi32, #tpu.memory_space<hbm>> -> memref<3328xi32, #tpu.memory_space<hbm>>
      tpu.wait_dma2 semaphore(%run_scoped3A : memref<!tpu.dma_semaphore, #tpu.memory_space<semaphore_mem>>) src(%dma_wait3A_420 : memref<3328xi32, #tpu.memory_space<hbm>>) dst(%arg5 : memref<3328xi32, #tpu.memory_space<vmem>>)
      tpu.yield
    }) : () -> ()
    %dma_start3A = arith.constant 0 : i32
    %dma_start3A_3 = arith.constant 0 : i32
    %dma_start3A_4 = tpu.memref_slice %arg6[%dma_start3A, %dma_start3A_3] : memref<3328x32xf32, #tpu.memory_space<vmem>> -> memref<128x32xf32, #tpu.memory_space<vmem>>
    %dma_start3A_5 = arith.constant 0 : i32
    %dma_start3A_6 = tpu.memref_slice %arg5[%dma_start3A_5] : memref<3328xi32, #tpu.memory_space<vmem>> -> memref<128xi32, #tpu.memory_space<vmem>>
    %dma_start3A_7 = arith.constant 0 : i32
    %dma_start3A_8 = arith.constant 0 : i32
    %dma_start3A_9 = tpu.memref_slice %arg2[%dma_start3A_7, %dma_start3A_8] : memref<1007616x32xf32, #tpu.memory_space<hbm>> -> memref<1007616x32xf32, #tpu.memory_space<hbm>>
    tpu.enqueue_indirect_dma source(%dma_start3A_9 : memref<1007616x32xf32, #tpu.memory_space<hbm>>) target(%dma_start3A_4 : memref<128x32xf32, #tpu.memory_space<vmem>>) offsets(%dma_start3A_6 : memref<128xi32, #tpu.memory_space<vmem>>) semaphore(%arg7 : memref<!tpu.dma_semaphore, #tpu.memory_space<semaphore_mem>>)
    %dma_start3A_10 = arith.constant 128 : i32
    %dma_start3A_11 = arith.constant 0 : i32
    %dma_start3A_12 = tpu.memref_slice %arg6[%dma_start3A_10, %dma_start3A_11] : memref<3328x32xf32, #tpu.memory_space<vmem>> -> memref<128x32xf32, #tpu.memory_space<vmem>>
    %dma_start3A_13 = arith.constant 128 : i32
    %dma_start3A_14 = tpu.memref_slice %arg5[%dma_start3A_13] : memref<3328xi32, #tpu.memory_space<vmem>> -> memref<128xi32, #tpu.memory_space<vmem>>
    %dma_start3A_15 = arith.constant 0 : i32
    %dma_start3A_16 = arith.constant 0 : i32
    %dma_start3A_17 = tpu.memref_slice %arg2[%dma_start3A_15, %dma_start3A_16] : memref<1007616x32xf32, #tpu.memory_space<hbm>> -> memref<1007616x32xf32, #tpu.memory_space<hbm>>
    tpu.enqueue_indirect_dma source(%dma_start3A_17 : memref<1007616x32xf32, #tpu.memory_space<hbm>>) target(%dma_start3A_12 : memref<128x32xf32, #tpu.memory_space<vmem>>) offsets(%dma_start3A_14 : memref<128xi32, #tpu.memory_space<vmem>>) semaphore(%arg7 : memref<!tpu.dma_semaphore, #tpu.memory_space<semaphore_mem>>)
    %dma_start3A_18 = arith.constant 256 : i32
    %dma_start3A_19 = arith.constant 0 : i32
    %dma_start3A_20 = tpu.memref_slice %arg6[%dma_start3A_18, %dma_start3A_19] : memref<3328x32xf32, #tpu.memory_space<vmem>> -> memref<128x32xf32, #tpu.memory_space<vmem>>
    %dma_start3A_21 = arith.constant 256 : i32
    %dma_start3A_22 = tpu.memref_slice %arg5[%dma_start3A_21] : memref<3328xi32, #tpu.memory_space<vmem>> -> memref<128xi32, #tpu.memory_space<vmem>>
    %dma_start3A_23 = arith.constant 0 : i32
    %dma_start3A_24 = arith.constant 0 : i32
    %dma_start3A_25 = tpu.memref_slice %arg2[%dma_start3A_23, %dma_start3A_24] : memref<1007616x32xf32, #tpu.memory_space<hbm>> -> memref<1007616x32xf32, #tpu.memory_space<hbm>>
    tpu.enqueue_indirect_dma source(%dma_start3A_25 : memref<1007616x32xf32, #tpu.memory_space<hbm>>) target(%dma_start3A_20 : memref<128x32xf32, #tpu.memory_space<vmem>>) offsets(%dma_start3A_22 : memref<128xi32, #tpu.memory_space<vmem>>) semaphore(%arg7 : memref<!tpu.dma_semaphore, #tpu.memory_space<semaphore_mem>>)
    %dma_start3A_26 = arith.constant 384 : i32
    %dma_start3A_27 = arith.constant 0 : i32
    %dma_start3A_28 = tpu.memref_slice %arg6[%dma_start3A_26, %dma_start3A_27] : memref<3328x32xf32, #tpu.memory_space<vmem>> -> memref<128x32xf32, #tpu.memory_space<vmem>>
    %dma_start3A_29 = arith.constant 384 : i32
    %dma_start3A_30 = tpu.memref_slice %arg5[%dma_start3A_29] : memref<3328xi32, #tpu.memory_space<vmem>> -> memref<128xi32, #tpu.memory_space<vmem>>
    %dma_start3A_31 = arith.constant 0 : i32
    %dma_start3A_32 = arith.constant 0 : i32
    %dma_start3A_33 = tpu.memref_slice %arg2[%dma_start3A_31, %dma_start3A_32] : memref<1007616x32xf32, #tpu.memory_space<hbm>> -> memref<1007616x32xf32, #tpu.memory_space<hbm>>
    tpu.enqueue_indirect_dma source(%dma_start3A_33 : memref<1007616x32xf32, #tpu.memory_space<hbm>>) target(%dma_start3A_28 : memref<128x32xf32, #tpu.memory_space<vmem>>) offsets(%dma_start3A_30 : memref<128xi32, #tpu.memory_space<vmem>>) semaphore(%arg7 : memref<!tpu.dma_semaphore, #tpu.memory_space<semaphore_mem>>)
    %dma_start3A_34 = arith.constant 512 : i32
    %dma_start3A_35 = arith.constant 0 : i32
    %dma_start3A_36 = tpu.memref_slice %arg6[%dma_start3A_34, %dma_start3A_35] : memref<3328x32xf32, #tpu.memory_space<vmem>> -> memref<128x32xf32, #tpu.memory_space<vmem>>
    %dma_start3A_37 = arith.constant 512 : i32
    %dma_start3A_38 = tpu.memref_slice %arg5[%dma_start3A_37] : memref<3328xi32, #tpu.memory_space<vmem>> -> memref<128xi32, #tpu.memory_space<vmem>>
    %dma_start3A_39 = arith.constant 0 : i32
    %dma_start3A_40 = arith.constant 0 : i32
    %dma_start3A_41 = tpu.memref_slice %arg2[%dma_start3A_39, %dma_start3A_40] : memref<1007616x32xf32, #tpu.memory_space<hbm>> -> memref<1007616x32xf32, #tpu.memory_space<hbm>>
    tpu.enqueue_indirect_dma source(%dma_start3A_41 : memref<1007616x32xf32, #tpu.memory_space<hbm>>) target(%dma_start3A_36 : memref<128x32xf32, #tpu.memory_space<vmem>>) offsets(%dma_start3A_38 : memref<128xi32, #tpu.memory_space<vmem>>) semaphore(%arg7 : memref<!tpu.dma_semaphore, #tpu.memory_space<semaphore_mem>>)
    %dma_start3A_42 = arith.constant 640 : i32
    %dma_start3A_43 = arith.constant 0 : i32
    %dma_start3A_44 = tpu.memref_slice %arg6[%dma_start3A_42, %dma_start3A_43] : memref<3328x32xf32, #tpu.memory_space<vmem>> -> memref<128x32xf32, #tpu.memory_space<vmem>>
    %dma_start3A_45 = arith.constant 640 : i32
    %dma_start3A_46 = tpu.memref_slice %arg5[%dma_start3A_45] : memref<3328xi32, #tpu.memory_space<vmem>> -> memref<128xi32, #tpu.memory_space<vmem>>
    %dma_start3A_47 = arith.constant 0 : i32
    %dma_start3A_48 = arith.constant 0 : i32
    %dma_start3A_49 = tpu.memref_slice %arg2[%dma_start3A_47, %dma_start3A_48] : memref<1007616x32xf32, #tpu.memory_space<hbm>> -> memref<1007616x32xf32, #tpu.memory_space<hbm>>
    tpu.enqueue_indirect_dma source(%dma_start3A_49 : memref<1007616x32xf32, #tpu.memory_space<hbm>>) target(%dma_start3A_44 : memref<128x32xf32, #tpu.memory_space<vmem>>) offsets(%dma_start3A_46 : memref<128xi32, #tpu.memory_space<vmem>>) semaphore(%arg7 : memref<!tpu.dma_semaphore, #tpu.memory_space<semaphore_mem>>)
    %dma_start3A_50 = arith.constant 768 : i32
    %dma_start3A_51 = arith.constant 0 : i32
    %dma_start3A_52 = tpu.memref_slice %arg6[%dma_start3A_50, %dma_start3A_51] : memref<3328x32xf32, #tpu.memory_space<vmem>> -> memref<128x32xf32, #tpu.memory_space<vmem>>
    %dma_start3A_53 = arith.constant 768 : i32
    %dma_start3A_54 = tpu.memref_slice %arg5[%dma_start3A_53] : memref<3328xi32, #tpu.memory_space<vmem>> -> memref<128xi32, #tpu.memory_space<vmem>>
    %dma_start3A_55 = arith.constant 0 : i32
    %dma_start3A_56 = arith.constant 0 : i32
    %dma_start3A_57 = tpu.memref_slice %arg2[%dma_start3A_55, %dma_start3A_56] : memref<1007616x32xf32, #tpu.memory_space<hbm>> -> memref<1007616x32xf32, #tpu.memory_space<hbm>>
    tpu.enqueue_indirect_dma source(%dma_start3A_57 : memref<1007616x32xf32, #tpu.memory_space<hbm>>) target(%dma_start3A_52 : memref<128x32xf32, #tpu.memory_space<vmem>>) offsets(%dma_start3A_54 : memref<128xi32, #tpu.memory_space<vmem>>) semaphore(%arg7 : memref<!tpu.dma_semaphore, #tpu.memory_space<semaphore_mem>>)
    %dma_start3A_58 = arith.constant 896 : i32
    %dma_start3A_59 = arith.constant 0 : i32
    %dma_start3A_60 = tpu.memref_slice %arg6[%dma_start3A_58, %dma_start3A_59] : memref<3328x32xf32, #tpu.memory_space<vmem>> -> memref<128x32xf32, #tpu.memory_space<vmem>>
    %dma_start3A_61 = arith.constant 896 : i32
    %dma_start3A_62 = tpu.memref_slice %arg5[%dma_start3A_61] : memref<3328xi32, #tpu.memory_space<vmem>> -> memref<128xi32, #tpu.memory_space<vmem>>
    %dma_start3A_63 = arith.constant 0 : i32
    %dma_start3A_64 = arith.constant 0 : i32
    %dma_start3A_65 = tpu.memref_slice %arg2[%dma_start3A_63, %dma_start3A_64] : memref<1007616x32xf32, #tpu.memory_space<hbm>> -> memref<1007616x32xf32, #tpu.memory_space<hbm>>
    tpu.enqueue_indirect_dma source(%dma_start3A_65 : memref<1007616x32xf32, #tpu.memory_space<hbm>>) target(%dma_start3A_60 : memref<128x32xf32, #tpu.memory_space<vmem>>) offsets(%dma_start3A_62 : memref<128xi32, #tpu.memory_space<vmem>>) semaphore(%arg7 : memref<!tpu.dma_semaphore, #tpu.memory_space<semaphore_mem>>)
    %dma_start3A_66 = arith.constant 1024 : i32
    %dma_start3A_67 = arith.constant 0 : i32
    %dma_start3A_68 = tpu.memref_slice %arg6[%dma_start3A_66, %dma_start3A_67] : memref<3328x32xf32, #tpu.memory_space<vmem>> -> memref<128x32xf32, #tpu.memory_space<vmem>>
    %dma_start3A_69 = arith.constant 1024 : i32
    %dma_start3A_70 = tpu.memref_slice %arg5[%dma_start3A_69] : memref<3328xi32, #tpu.memory_space<vmem>> -> memref<128xi32, #tpu.memory_space<vmem>>
    %dma_start3A_71 = arith.constant 0 : i32
    %dma_start3A_72 = arith.constant 0 : i32
    %dma_start3A_73 = tpu.memref_slice %arg2[%dma_start3A_71, %dma_start3A_72] : memref<1007616x32xf32, #tpu.memory_space<hbm>> -> memref<1007616x32xf32, #tpu.memory_space<hbm>>
    tpu.enqueue_indirect_dma source(%dma_start3A_73 : memref<1007616x32xf32, #tpu.memory_space<hbm>>) target(%dma_start3A_68 : memref<128x32xf32, #tpu.memory_space<vmem>>) offsets(%dma_start3A_70 : memref<128xi32, #tpu.memory_space<vmem>>) semaphore(%arg7 : memref<!tpu.dma_semaphore, #tpu.memory_space<semaphore_mem>>)
    %dma_start3A_74 = arith.constant 1152 : i32
    %dma_start3A_75 = arith.constant 0 : i32
    %dma_start3A_76 = tpu.memref_slice %arg6[%dma_start3A_74, %dma_start3A_75] : memref<3328x32xf32, #tpu.memory_space<vmem>> -> memref<128x32xf32, #tpu.memory_space<vmem>>
    %dma_start3A_77 = arith.constant 1152 : i32
    %dma_start3A_78 = tpu.memref_slice %arg5[%dma_start3A_77] : memref<3328xi32, #tpu.memory_space<vmem>> -> memref<128xi32, #tpu.memory_space<vmem>>
    %dma_start3A_79 = arith.constant 0 : i32
    %dma_start3A_80 = arith.constant 0 : i32
    %dma_start3A_81 = tpu.memref_slice %arg2[%dma_start3A_79, %dma_start3A_80] : memref<1007616x32xf32, #tpu.memory_space<hbm>> -> memref<1007616x32xf32, #tpu.memory_space<hbm>>
    tpu.enqueue_indirect_dma source(%dma_start3A_81 : memref<1007616x32xf32, #tpu.memory_space<hbm>>) target(%dma_start3A_76 : memref<128x32xf32, #tpu.memory_space<vmem>>) offsets(%dma_start3A_78 : memref<128xi32, #tpu.memory_space<vmem>>) semaphore(%arg7 : memref<!tpu.dma_semaphore, #tpu.memory_space<semaphore_mem>>)
    %dma_start3A_82 = arith.constant 1280 : i32
    %dma_start3A_83 = arith.constant 0 : i32
    %dma_start3A_84 = tpu.memref_slice %arg6[%dma_start3A_82, %dma_start3A_83] : memref<3328x32xf32, #tpu.memory_space<vmem>> -> memref<128x32xf32, #tpu.memory_space<vmem>>
    %dma_start3A_85 = arith.constant 1280 : i32
    %dma_start3A_86 = tpu.memref_slice %arg5[%dma_start3A_85] : memref<3328xi32, #tpu.memory_space<vmem>> -> memref<128xi32, #tpu.memory_space<vmem>>
    %dma_start3A_87 = arith.constant 0 : i32
    %dma_start3A_88 = arith.constant 0 : i32
    %dma_start3A_89 = tpu.memref_slice %arg2[%dma_start3A_87, %dma_start3A_88] : memref<1007616x32xf32, #tpu.memory_space<hbm>> -> memref<1007616x32xf32, #tpu.memory_space<hbm>>
    tpu.enqueue_indirect_dma source(%dma_start3A_89 : memref<1007616x32xf32, #tpu.memory_space<hbm>>) target(%dma_start3A_84 : memref<128x32xf32, #tpu.memory_space<vmem>>) offsets(%dma_start3A_86 : memref<128xi32, #tpu.memory_space<vmem>>) semaphore(%arg7 : memref<!tpu.dma_semaphore, #tpu.memory_space<semaphore_mem>>)
    %dma_start3A_90 = arith.constant 1408 : i32
    %dma_start3A_91 = arith.constant 0 : i32
    %dma_start3A_92 = tpu.memref_slice %arg6[%dma_start3A_90, %dma_start3A_91] : memref<3328x32xf32, #tpu.memory_space<vmem>> -> memref<128x32xf32, #tpu.memory_space<vmem>>
    %dma_start3A_93 = arith.constant 1408 : i32
    %dma_start3A_94 = tpu.memref_slice %arg5[%dma_start3A_93] : memref<3328xi32, #tpu.memory_space<vmem>> -> memref<128xi32, #tpu.memory_space<vmem>>
    %dma_start3A_95 = arith.constant 0 : i32
    %dma_start3A_96 = arith.constant 0 : i32
    %dma_start3A_97 = tpu.memref_slice %arg2[%dma_start3A_95, %dma_start3A_96] : memref<1007616x32xf32, #tpu.memory_space<hbm>> -> memref<1007616x32xf32, #tpu.memory_space<hbm>>
    tpu.enqueue_indirect_dma source(%dma_start3A_97 : memref<1007616x32xf32, #tpu.memory_space<hbm>>) target(%dma_start3A_92 : memref<128x32xf32, #tpu.memory_space<vmem>>) offsets(%dma_start3A_94 : memref<128xi32, #tpu.memory_space<vmem>>) semaphore(%arg7 : memref<!tpu.dma_semaphore, #tpu.memory_space<semaphore_mem>>)
    %dma_start3A_98 = arith.constant 1536 : i32
    %dma_start3A_99 = arith.constant 0 : i32
    %dma_start3A_100 = tpu.memref_slice %arg6[%dma_start3A_98, %dma_start3A_99] : memref<3328x32xf32, #tpu.memory_space<vmem>> -> memref<128x32xf32, #tpu.memory_space<vmem>>
    %dma_start3A_101 = arith.constant 1536 : i32
    %dma_start3A_102 = tpu.memref_slice %arg5[%dma_start3A_101] : memref<3328xi32, #tpu.memory_space<vmem>> -> memref<128xi32, #tpu.memory_space<vmem>>
    %dma_start3A_103 = arith.constant 0 : i32
    %dma_start3A_104 = arith.constant 0 : i32
    %dma_start3A_105 = tpu.memref_slice %arg2[%dma_start3A_103, %dma_start3A_104] : memref<1007616x32xf32, #tpu.memory_space<hbm>> -> memref<1007616x32xf32, #tpu.memory_space<hbm>>
    tpu.enqueue_indirect_dma source(%dma_start3A_105 : memref<1007616x32xf32, #tpu.memory_space<hbm>>) target(%dma_start3A_100 : memref<128x32xf32, #tpu.memory_space<vmem>>) offsets(%dma_start3A_102 : memref<128xi32, #tpu.memory_space<vmem>>) semaphore(%arg7 : memref<!tpu.dma_semaphore, #tpu.memory_space<semaphore_mem>>)
    %dma_start3A_106 = arith.constant 1664 : i32
    %dma_start3A_107 = arith.constant 0 : i32
    %dma_start3A_108 = tpu.memref_slice %arg6[%dma_start3A_106, %dma_start3A_107] : memref<3328x32xf32, #tpu.memory_space<vmem>> -> memref<128x32xf32, #tpu.memory_space<vmem>>
    %dma_start3A_109 = arith.constant 1664 : i32
    %dma_start3A_110 = tpu.memref_slice %arg5[%dma_start3A_109] : memref<3328xi32, #tpu.memory_space<vmem>> -> memref<128xi32, #tpu.memory_space<vmem>>
    %dma_start3A_111 = arith.constant 0 : i32
    %dma_start3A_112 = arith.constant 0 : i32
    %dma_start3A_113 = tpu.memref_slice %arg2[%dma_start3A_111, %dma_start3A_112] : memref<1007616x32xf32, #tpu.memory_space<hbm>> -> memref<1007616x32xf32, #tpu.memory_space<hbm>>
    tpu.enqueue_indirect_dma source(%dma_start3A_113 : memref<1007616x32xf32, #tpu.memory_space<hbm>>) target(%dma_start3A_108 : memref<128x32xf32, #tpu.memory_space<vmem>>) offsets(%dma_start3A_110 : memref<128xi32, #tpu.memory_space<vmem>>) semaphore(%arg7 : memref<!tpu.dma_semaphore, #tpu.memory_space<semaphore_mem>>)
    %dma_start3A_114 = arith.constant 1792 : i32
    %dma_start3A_115 = arith.constant 0 : i32
    %dma_start3A_116 = tpu.memref_slice %arg6[%dma_start3A_114, %dma_start3A_115] : memref<3328x32xf32, #tpu.memory_space<vmem>> -> memref<128x32xf32, #tpu.memory_space<vmem>>
    %dma_start3A_117 = arith.constant 1792 : i32
    %dma_start3A_118 = tpu.memref_slice %arg5[%dma_start3A_117] : memref<3328xi32, #tpu.memory_space<vmem>> -> memref<128xi32, #tpu.memory_space<vmem>>
    %dma_start3A_119 = arith.constant 0 : i32
    %dma_start3A_120 = arith.constant 0 : i32
    %dma_start3A_121 = tpu.memref_slice %arg2[%dma_start3A_119, %dma_start3A_120] : memref<1007616x32xf32, #tpu.memory_space<hbm>> -> memref<1007616x32xf32, #tpu.memory_space<hbm>>
    tpu.enqueue_indirect_dma source(%dma_start3A_121 : memref<1007616x32xf32, #tpu.memory_space<hbm>>) target(%dma_start3A_116 : memref<128x32xf32, #tpu.memory_space<vmem>>) offsets(%dma_start3A_118 : memref<128xi32, #tpu.memory_space<vmem>>) semaphore(%arg7 : memref<!tpu.dma_semaphore, #tpu.memory_space<semaphore_mem>>)
    %dma_start3A_122 = arith.constant 1920 : i32
    %dma_start3A_123 = arith.constant 0 : i32
    %dma_start3A_124 = tpu.memref_slice %arg6[%dma_start3A_122, %dma_start3A_123] : memref<3328x32xf32, #tpu.memory_space<vmem>> -> memref<128x32xf32, #tpu.memory_space<vmem>>
    %dma_start3A_125 = arith.constant 1920 : i32
    %dma_start3A_126 = tpu.memref_slice %arg5[%dma_start3A_125] : memref<3328xi32, #tpu.memory_space<vmem>> -> memref<128xi32, #tpu.memory_space<vmem>>
    %dma_start3A_127 = arith.constant 0 : i32
    %dma_start3A_128 = arith.constant 0 : i32
    %dma_start3A_129 = tpu.memref_slice %arg2[%dma_start3A_127, %dma_start3A_128] : memref<1007616x32xf32, #tpu.memory_space<hbm>> -> memref<1007616x32xf32, #tpu.memory_space<hbm>>
    tpu.enqueue_indirect_dma source(%dma_start3A_129 : memref<1007616x32xf32, #tpu.memory_space<hbm>>) target(%dma_start3A_124 : memref<128x32xf32, #tpu.memory_space<vmem>>) offsets(%dma_start3A_126 : memref<128xi32, #tpu.memory_space<vmem>>) semaphore(%arg7 : memref<!tpu.dma_semaphore, #tpu.memory_space<semaphore_mem>>)
    %dma_start3A_130 = arith.constant 2048 : i32
    %dma_start3A_131 = arith.constant 0 : i32
    %dma_start3A_132 = tpu.memref_slice %arg6[%dma_start3A_130, %dma_start3A_131] : memref<3328x32xf32, #tpu.memory_space<vmem>> -> memref<128x32xf32, #tpu.memory_space<vmem>>
    %dma_start3A_133 = arith.constant 2048 : i32
    %dma_start3A_134 = tpu.memref_slice %arg5[%dma_start3A_133] : memref<3328xi32, #tpu.memory_space<vmem>> -> memref<128xi32, #tpu.memory_space<vmem>>
    %dma_start3A_135 = arith.constant 0 : i32
    %dma_start3A_136 = arith.constant 0 : i32
    %dma_start3A_137 = tpu.memref_slice %arg2[%dma_start3A_135, %dma_start3A_136] : memref<1007616x32xf32, #tpu.memory_space<hbm>> -> memref<1007616x32xf32, #tpu.memory_space<hbm>>
    tpu.enqueue_indirect_dma source(%dma_start3A_137 : memref<1007616x32xf32, #tpu.memory_space<hbm>>) target(%dma_start3A_132 : memref<128x32xf32, #tpu.memory_space<vmem>>) offsets(%dma_start3A_134 : memref<128xi32, #tpu.memory_space<vmem>>) semaphore(%arg7 : memref<!tpu.dma_semaphore, #tpu.memory_space<semaphore_mem>>)
    %dma_start3A_138 = arith.constant 2176 : i32
    %dma_start3A_139 = arith.constant 0 : i32
    %dma_start3A_140 = tpu.memref_slice %arg6[%dma_start3A_138, %dma_start3A_139] : memref<3328x32xf32, #tpu.memory_space<vmem>> -> memref<128x32xf32, #tpu.memory_space<vmem>>
    %dma_start3A_141 = arith.constant 2176 : i32
    %dma_start3A_142 = tpu.memref_slice %arg5[%dma_start3A_141] : memref<3328xi32, #tpu.memory_space<vmem>> -> memref<128xi32, #tpu.memory_space<vmem>>
    %dma_start3A_143 = arith.constant 0 : i32
    %dma_start3A_144 = arith.constant 0 : i32
    %dma_start3A_145 = tpu.memref_slice %arg2[%dma_start3A_143, %dma_start3A_144] : memref<1007616x32xf32, #tpu.memory_space<hbm>> -> memref<1007616x32xf32, #tpu.memory_space<hbm>>
    tpu.enqueue_indirect_dma source(%dma_start3A_145 : memref<1007616x32xf32, #tpu.memory_space<hbm>>) target(%dma_start3A_140 : memref<128x32xf32, #tpu.memory_space<vmem>>) offsets(%dma_start3A_142 : memref<128xi32, #tpu.memory_space<vmem>>) semaphore(%arg7 : memref<!tpu.dma_semaphore, #tpu.memory_space<semaphore_mem>>)
    %dma_start3A_146 = arith.constant 2304 : i32
    %dma_start3A_147 = arith.constant 0 : i32
    %dma_start3A_148 = tpu.memref_slice %arg6[%dma_start3A_146, %dma_start3A_147] : memref<3328x32xf32, #tpu.memory_space<vmem>> -> memref<128x32xf32, #tpu.memory_space<vmem>>
    %dma_start3A_149 = arith.constant 2304 : i32
    %dma_start3A_150 = tpu.memref_slice %arg5[%dma_start3A_149] : memref<3328xi32, #tpu.memory_space<vmem>> -> memref<128xi32, #tpu.memory_space<vmem>>
    %dma_start3A_151 = arith.constant 0 : i32
    %dma_start3A_152 = arith.constant 0 : i32
    %dma_start3A_153 = tpu.memref_slice %arg2[%dma_start3A_151, %dma_start3A_152] : memref<1007616x32xf32, #tpu.memory_space<hbm>> -> memref<1007616x32xf32, #tpu.memory_space<hbm>>
    tpu.enqueue_indirect_dma source(%dma_start3A_153 : memref<1007616x32xf32, #tpu.memory_space<hbm>>) target(%dma_start3A_148 : memref<128x32xf32, #tpu.memory_space<vmem>>) offsets(%dma_start3A_150 : memref<128xi32, #tpu.memory_space<vmem>>) semaphore(%arg7 : memref<!tpu.dma_semaphore, #tpu.memory_space<semaphore_mem>>)
    %dma_start3A_154 = arith.constant 2432 : i32
    %dma_start3A_155 = arith.constant 0 : i32
    %dma_start3A_156 = tpu.memref_slice %arg6[%dma_start3A_154, %dma_start3A_155] : memref<3328x32xf32, #tpu.memory_space<vmem>> -> memref<128x32xf32, #tpu.memory_space<vmem>>
    %dma_start3A_157 = arith.constant 2432 : i32
    %dma_start3A_158 = tpu.memref_slice %arg5[%dma_start3A_157] : memref<3328xi32, #tpu.memory_space<vmem>> -> memref<128xi32, #tpu.memory_space<vmem>>
    %dma_start3A_159 = arith.constant 0 : i32
    %dma_start3A_160 = arith.constant 0 : i32
    %dma_start3A_161 = tpu.memref_slice %arg2[%dma_start3A_159, %dma_start3A_160] : memref<1007616x32xf32, #tpu.memory_space<hbm>> -> memref<1007616x32xf32, #tpu.memory_space<hbm>>
    tpu.enqueue_indirect_dma source(%dma_start3A_161 : memref<1007616x32xf32, #tpu.memory_space<hbm>>) target(%dma_start3A_156 : memref<128x32xf32, #tpu.memory_space<vmem>>) offsets(%dma_start3A_158 : memref<128xi32, #tpu.memory_space<vmem>>) semaphore(%arg7 : memref<!tpu.dma_semaphore, #tpu.memory_space<semaphore_mem>>)
    %dma_start3A_162 = arith.constant 2560 : i32
    %dma_start3A_163 = arith.constant 0 : i32
    %dma_start3A_164 = tpu.memref_slice %arg6[%dma_start3A_162, %dma_start3A_163] : memref<3328x32xf32, #tpu.memory_space<vmem>> -> memref<128x32xf32, #tpu.memory_space<vmem>>
    %dma_start3A_165 = arith.constant 2560 : i32
    %dma_start3A_166 = tpu.memref_slice %arg5[%dma_start3A_165] : memref<3328xi32, #tpu.memory_space<vmem>> -> memref<128xi32, #tpu.memory_space<vmem>>
    %dma_start3A_167 = arith.constant 0 : i32
    %dma_start3A_168 = arith.constant 0 : i32
    %dma_start3A_169 = tpu.memref_slice %arg2[%dma_start3A_167, %dma_start3A_168] : memref<1007616x32xf32, #tpu.memory_space<hbm>> -> memref<1007616x32xf32, #tpu.memory_space<hbm>>
    tpu.enqueue_indirect_dma source(%dma_start3A_169 : memref<1007616x32xf32, #tpu.memory_space<hbm>>) target(%dma_start3A_164 : memref<128x32xf32, #tpu.memory_space<vmem>>) offsets(%dma_start3A_166 : memref<128xi32, #tpu.memory_space<vmem>>) semaphore(%arg7 : memref<!tpu.dma_semaphore, #tpu.memory_space<semaphore_mem>>)
    %dma_start3A_170 = arith.constant 2688 : i32
    %dma_start3A_171 = arith.constant 0 : i32
    %dma_start3A_172 = tpu.memref_slice %arg6[%dma_start3A_170, %dma_start3A_171] : memref<3328x32xf32, #tpu.memory_space<vmem>> -> memref<128x32xf32, #tpu.memory_space<vmem>>
    %dma_start3A_173 = arith.constant 2688 : i32
    %dma_start3A_174 = tpu.memref_slice %arg5[%dma_start3A_173] : memref<3328xi32, #tpu.memory_space<vmem>> -> memref<128xi32, #tpu.memory_space<vmem>>
    %dma_start3A_175 = arith.constant 0 : i32
    %dma_start3A_176 = arith.constant 0 : i32
    %dma_start3A_177 = tpu.memref_slice %arg2[%dma_start3A_175, %dma_start3A_176] : memref<1007616x32xf32, #tpu.memory_space<hbm>> -> memref<1007616x32xf32, #tpu.memory_space<hbm>>
    tpu.enqueue_indirect_dma source(%dma_start3A_177 : memref<1007616x32xf32, #tpu.memory_space<hbm>>) target(%dma_start3A_172 : memref<128x32xf32, #tpu.memory_space<vmem>>) offsets(%dma_start3A_174 : memref<128xi32, #tpu.memory_space<vmem>>) semaphore(%arg7 : memref<!tpu.dma_semaphore, #tpu.memory_space<semaphore_mem>>)
    %dma_start3A_178 = arith.constant 2816 : i32
    %dma_start3A_179 = arith.constant 0 : i32
    %dma_start3A_180 = tpu.memref_slice %arg6[%dma_start3A_178, %dma_start3A_179] : memref<3328x32xf32, #tpu.memory_space<vmem>> -> memref<128x32xf32, #tpu.memory_space<vmem>>
    %dma_start3A_181 = arith.constant 2816 : i32
    %dma_start3A_182 = tpu.memref_slice %arg5[%dma_start3A_181] : memref<3328xi32, #tpu.memory_space<vmem>> -> memref<128xi32, #tpu.memory_space<vmem>>
    %dma_start3A_183 = arith.constant 0 : i32
    %dma_start3A_184 = arith.constant 0 : i32
    %dma_start3A_185 = tpu.memref_slice %arg2[%dma_start3A_183, %dma_start3A_184] : memref<1007616x32xf32, #tpu.memory_space<hbm>> -> memref<1007616x32xf32, #tpu.memory_space<hbm>>
    tpu.enqueue_indirect_dma source(%dma_start3A_185 : memref<1007616x32xf32, #tpu.memory_space<hbm>>) target(%dma_start3A_180 : memref<128x32xf32, #tpu.memory_space<vmem>>) offsets(%dma_start3A_182 : memref<128xi32, #tpu.memory_space<vmem>>) semaphore(%arg7 : memref<!tpu.dma_semaphore, #tpu.memory_space<semaphore_mem>>)
    %dma_start3A_186 = arith.constant 2944 : i32
    %dma_start3A_187 = arith.constant 0 : i32
    %dma_start3A_188 = tpu.memref_slice %arg6[%dma_start3A_186, %dma_start3A_187] : memref<3328x32xf32, #tpu.memory_space<vmem>> -> memref<128x32xf32, #tpu.memory_space<vmem>>
    %dma_start3A_189 = arith.constant 2944 : i32
    %dma_start3A_190 = tpu.memref_slice %arg5[%dma_start3A_189] : memref<3328xi32, #tpu.memory_space<vmem>> -> memref<128xi32, #tpu.memory_space<vmem>>
    %dma_start3A_191 = arith.constant 0 : i32
    %dma_start3A_192 = arith.constant 0 : i32
    %dma_start3A_193 = tpu.memref_slice %arg2[%dma_start3A_191, %dma_start3A_192] : memref<1007616x32xf32, #tpu.memory_space<hbm>> -> memref<1007616x32xf32, #tpu.memory_space<hbm>>
    tpu.enqueue_indirect_dma source(%dma_start3A_193 : memref<1007616x32xf32, #tpu.memory_space<hbm>>) target(%dma_start3A_188 : memref<128x32xf32, #tpu.memory_space<vmem>>) offsets(%dma_start3A_190 : memref<128xi32, #tpu.memory_space<vmem>>) semaphore(%arg7 : memref<!tpu.dma_semaphore, #tpu.memory_space<semaphore_mem>>)
    %dma_start3A_194 = arith.constant 3072 : i32
    %dma_start3A_195 = arith.constant 0 : i32
    %dma_start3A_196 = tpu.memref_slice %arg6[%dma_start3A_194, %dma_start3A_195] : memref<3328x32xf32, #tpu.memory_space<vmem>> -> memref<128x32xf32, #tpu.memory_space<vmem>>
    %dma_start3A_197 = arith.constant 3072 : i32
    %dma_start3A_198 = tpu.memref_slice %arg5[%dma_start3A_197] : memref<3328xi32, #tpu.memory_space<vmem>> -> memref<128xi32, #tpu.memory_space<vmem>>
    %dma_start3A_199 = arith.constant 0 : i32
    %dma_start3A_200 = arith.constant 0 : i32
    %dma_start3A_201 = tpu.memref_slice %arg2[%dma_start3A_199, %dma_start3A_200] : memref<1007616x32xf32, #tpu.memory_space<hbm>> -> memref<1007616x32xf32, #tpu.memory_space<hbm>>
    tpu.enqueue_indirect_dma source(%dma_start3A_201 : memref<1007616x32xf32, #tpu.memory_space<hbm>>) target(%dma_start3A_196 : memref<128x32xf32, #tpu.memory_space<vmem>>) offsets(%dma_start3A_198 : memref<128xi32, #tpu.memory_space<vmem>>) semaphore(%arg7 : memref<!tpu.dma_semaphore, #tpu.memory_space<semaphore_mem>>)
    %dma_start3A_202 = arith.constant 3200 : i32
    %dma_start3A_203 = arith.constant 0 : i32
    %dma_start3A_204 = tpu.memref_slice %arg6[%dma_start3A_202, %dma_start3A_203] : memref<3328x32xf32, #tpu.memory_space<vmem>> -> memref<128x32xf32, #tpu.memory_space<vmem>>
    %dma_start3A_205 = arith.constant 3200 : i32
    %dma_start3A_206 = tpu.memref_slice %arg5[%dma_start3A_205] : memref<3328xi32, #tpu.memory_space<vmem>> -> memref<128xi32, #tpu.memory_space<vmem>>
    %dma_start3A_207 = arith.constant 0 : i32
    %dma_start3A_208 = arith.constant 0 : i32
    %dma_start3A_209 = tpu.memref_slice %arg2[%dma_start3A_207, %dma_start3A_208] : memref<1007616x32xf32, #tpu.memory_space<hbm>> -> memref<1007616x32xf32, #tpu.memory_space<hbm>>
    tpu.enqueue_indirect_dma source(%dma_start3A_209 : memref<1007616x32xf32, #tpu.memory_space<hbm>>) target(%dma_start3A_204 : memref<128x32xf32, #tpu.memory_space<vmem>>) offsets(%dma_start3A_206 : memref<128xi32, #tpu.memory_space<vmem>>) semaphore(%arg7 : memref<!tpu.dma_semaphore, #tpu.memory_space<semaphore_mem>>)
    %dma_wait3A = arith.constant 0 : i32
    %dma_wait3A_210 = arith.constant 0 : i32
    %dma_wait3A_211 = tpu.memref_slice %arg6[%dma_wait3A, %dma_wait3A_210] : memref<3328x32xf32, #tpu.memory_space<vmem>> -> memref<128x32xf32, #tpu.memory_space<vmem>>
    %dma_wait3A_212 = arith.constant 0 : i32
    %dma_wait3A_213 = tpu.memref_slice %arg5[%dma_wait3A_212] : memref<3328xi32, #tpu.memory_space<vmem>> -> memref<128xi32, #tpu.memory_space<vmem>>
    %dma_wait3A_214 = arith.constant 0 : i32
    %dma_wait3A_215 = arith.constant 0 : i32
    %dma_wait3A_216 = tpu.memref_slice %arg2[%dma_wait3A_214, %dma_wait3A_215] : memref<1007616x32xf32, #tpu.memory_space<hbm>> -> memref<1007616x32xf32, #tpu.memory_space<hbm>>
    tpu.wait_indirect_dma semaphore(%arg7 : memref<!tpu.dma_semaphore, #tpu.memory_space<semaphore_mem>>) src(%dma_wait3A_216 : memref<1007616x32xf32, #tpu.memory_space<hbm>>) dst(%dma_wait3A_211 : memref<128x32xf32, #tpu.memory_space<vmem>>)
    %dma_wait3A_217 = arith.constant 128 : i32
    %dma_wait3A_218 = arith.constant 0 : i32
    %dma_wait3A_219 = tpu.memref_slice %arg6[%dma_wait3A_217, %dma_wait3A_218] : memref<3328x32xf32, #tpu.memory_space<vmem>> -> memref<128x32xf32, #tpu.memory_space<vmem>>
    %dma_wait3A_220 = arith.constant 128 : i32
    %dma_wait3A_221 = tpu.memref_slice %arg5[%dma_wait3A_220] : memref<3328xi32, #tpu.memory_space<vmem>> -> memref<128xi32, #tpu.memory_space<vmem>>
    %dma_wait3A_222 = arith.constant 0 : i32
    %dma_wait3A_223 = arith.constant 0 : i32
    %dma_wait3A_224 = tpu.memref_slice %arg2[%dma_wait3A_222, %dma_wait3A_223] : memref<1007616x32xf32, #tpu.memory_space<hbm>> -> memref<1007616x32xf32, #tpu.memory_space<hbm>>
    tpu.wait_indirect_dma semaphore(%arg7 : memref<!tpu.dma_semaphore, #tpu.memory_space<semaphore_mem>>) src(%dma_wait3A_224 : memref<1007616x32xf32, #tpu.memory_space<hbm>>) dst(%dma_wait3A_219 : memref<128x32xf32, #tpu.memory_space<vmem>>)
    %dma_wait3A_225 = arith.constant 256 : i32
    %dma_wait3A_226 = arith.constant 0 : i32
    %dma_wait3A_227 = tpu.memref_slice %arg6[%dma_wait3A_225, %dma_wait3A_226] : memref<3328x32xf32, #tpu.memory_space<vmem>> -> memref<128x32xf32, #tpu.memory_space<vmem>>
    %dma_wait3A_228 = arith.constant 256 : i32
    %dma_wait3A_229 = tpu.memref_slice %arg5[%dma_wait3A_228] : memref<3328xi32, #tpu.memory_space<vmem>> -> memref<128xi32, #tpu.memory_space<vmem>>
    %dma_wait3A_230 = arith.constant 0 : i32
    %dma_wait3A_231 = arith.constant 0 : i32
    %dma_wait3A_232 = tpu.memref_slice %arg2[%dma_wait3A_230, %dma_wait3A_231] : memref<1007616x32xf32, #tpu.memory_space<hbm>> -> memref<1007616x32xf32, #tpu.memory_space<hbm>>
    tpu.wait_indirect_dma semaphore(%arg7 : memref<!tpu.dma_semaphore, #tpu.memory_space<semaphore_mem>>) src(%dma_wait3A_232 : memref<1007616x32xf32, #tpu.memory_space<hbm>>) dst(%dma_wait3A_227 : memref<128x32xf32, #tpu.memory_space<vmem>>)
    %dma_wait3A_233 = arith.constant 384 : i32
    %dma_wait3A_234 = arith.constant 0 : i32
    %dma_wait3A_235 = tpu.memref_slice %arg6[%dma_wait3A_233, %dma_wait3A_234] : memref<3328x32xf32, #tpu.memory_space<vmem>> -> memref<128x32xf32, #tpu.memory_space<vmem>>
    %dma_wait3A_236 = arith.constant 384 : i32
    %dma_wait3A_237 = tpu.memref_slice %arg5[%dma_wait3A_236] : memref<3328xi32, #tpu.memory_space<vmem>> -> memref<128xi32, #tpu.memory_space<vmem>>
    %dma_wait3A_238 = arith.constant 0 : i32
    %dma_wait3A_239 = arith.constant 0 : i32
    %dma_wait3A_240 = tpu.memref_slice %arg2[%dma_wait3A_238, %dma_wait3A_239] : memref<1007616x32xf32, #tpu.memory_space<hbm>> -> memref<1007616x32xf32, #tpu.memory_space<hbm>>
    tpu.wait_indirect_dma semaphore(%arg7 : memref<!tpu.dma_semaphore, #tpu.memory_space<semaphore_mem>>) src(%dma_wait3A_240 : memref<1007616x32xf32, #tpu.memory_space<hbm>>) dst(%dma_wait3A_235 : memref<128x32xf32, #tpu.memory_space<vmem>>)
    %dma_wait3A_241 = arith.constant 512 : i32
    %dma_wait3A_242 = arith.constant 0 : i32
    %dma_wait3A_243 = tpu.memref_slice %arg6[%dma_wait3A_241, %dma_wait3A_242] : memref<3328x32xf32, #tpu.memory_space<vmem>> -> memref<128x32xf32, #tpu.memory_space<vmem>>
    %dma_wait3A_244 = arith.constant 512 : i32
    %dma_wait3A_245 = tpu.memref_slice %arg5[%dma_wait3A_244] : memref<3328xi32, #tpu.memory_space<vmem>> -> memref<128xi32, #tpu.memory_space<vmem>>
    %dma_wait3A_246 = arith.constant 0 : i32
    %dma_wait3A_247 = arith.constant 0 : i32
    %dma_wait3A_248 = tpu.memref_slice %arg2[%dma_wait3A_246, %dma_wait3A_247] : memref<1007616x32xf32, #tpu.memory_space<hbm>> -> memref<1007616x32xf32, #tpu.memory_space<hbm>>
    tpu.wait_indirect_dma semaphore(%arg7 : memref<!tpu.dma_semaphore, #tpu.memory_space<semaphore_mem>>) src(%dma_wait3A_248 : memref<1007616x32xf32, #tpu.memory_space<hbm>>) dst(%dma_wait3A_243 : memref<128x32xf32, #tpu.memory_space<vmem>>)
    %dma_wait3A_249 = arith.constant 640 : i32
    %dma_wait3A_250 = arith.constant 0 : i32
    %dma_wait3A_251 = tpu.memref_slice %arg6[%dma_wait3A_249, %dma_wait3A_250] : memref<3328x32xf32, #tpu.memory_space<vmem>> -> memref<128x32xf32, #tpu.memory_space<vmem>>
    %dma_wait3A_252 = arith.constant 640 : i32
    %dma_wait3A_253 = tpu.memref_slice %arg5[%dma_wait3A_252] : memref<3328xi32, #tpu.memory_space<vmem>> -> memref<128xi32, #tpu.memory_space<vmem>>
    %dma_wait3A_254 = arith.constant 0 : i32
    %dma_wait3A_255 = arith.constant 0 : i32
    %dma_wait3A_256 = tpu.memref_slice %arg2[%dma_wait3A_254, %dma_wait3A_255] : memref<1007616x32xf32, #tpu.memory_space<hbm>> -> memref<1007616x32xf32, #tpu.memory_space<hbm>>
    tpu.wait_indirect_dma semaphore(%arg7 : memref<!tpu.dma_semaphore, #tpu.memory_space<semaphore_mem>>) src(%dma_wait3A_256 : memref<1007616x32xf32, #tpu.memory_space<hbm>>) dst(%dma_wait3A_251 : memref<128x32xf32, #tpu.memory_space<vmem>>)
    %dma_wait3A_257 = arith.constant 768 : i32
    %dma_wait3A_258 = arith.constant 0 : i32
    %dma_wait3A_259 = tpu.memref_slice %arg6[%dma_wait3A_257, %dma_wait3A_258] : memref<3328x32xf32, #tpu.memory_space<vmem>> -> memref<128x32xf32, #tpu.memory_space<vmem>>
    %dma_wait3A_260 = arith.constant 768 : i32
    %dma_wait3A_261 = tpu.memref_slice %arg5[%dma_wait3A_260] : memref<3328xi32, #tpu.memory_space<vmem>> -> memref<128xi32, #tpu.memory_space<vmem>>
    %dma_wait3A_262 = arith.constant 0 : i32
    %dma_wait3A_263 = arith.constant 0 : i32
    %dma_wait3A_264 = tpu.memref_slice %arg2[%dma_wait3A_262, %dma_wait3A_263] : memref<1007616x32xf32, #tpu.memory_space<hbm>> -> memref<1007616x32xf32, #tpu.memory_space<hbm>>
    tpu.wait_indirect_dma semaphore(%arg7 : memref<!tpu.dma_semaphore, #tpu.memory_space<semaphore_mem>>) src(%dma_wait3A_264 : memref<1007616x32xf32, #tpu.memory_space<hbm>>) dst(%dma_wait3A_259 : memref<128x32xf32, #tpu.memory_space<vmem>>)
    %dma_wait3A_265 = arith.constant 896 : i32
    %dma_wait3A_266 = arith.constant 0 : i32
    %dma_wait3A_267 = tpu.memref_slice %arg6[%dma_wait3A_265, %dma_wait3A_266] : memref<3328x32xf32, #tpu.memory_space<vmem>> -> memref<128x32xf32, #tpu.memory_space<vmem>>
    %dma_wait3A_268 = arith.constant 896 : i32
    %dma_wait3A_269 = tpu.memref_slice %arg5[%dma_wait3A_268] : memref<3328xi32, #tpu.memory_space<vmem>> -> memref<128xi32, #tpu.memory_space<vmem>>
    %dma_wait3A_270 = arith.constant 0 : i32
    %dma_wait3A_271 = arith.constant 0 : i32
    %dma_wait3A_272 = tpu.memref_slice %arg2[%dma_wait3A_270, %dma_wait3A_271] : memref<1007616x32xf32, #tpu.memory_space<hbm>> -> memref<1007616x32xf32, #tpu.memory_space<hbm>>
    tpu.wait_indirect_dma semaphore(%arg7 : memref<!tpu.dma_semaphore, #tpu.memory_space<semaphore_mem>>) src(%dma_wait3A_272 : memref<1007616x32xf32, #tpu.memory_space<hbm>>) dst(%dma_wait3A_267 : memref<128x32xf32, #tpu.memory_space<vmem>>)
    %dma_wait3A_273 = arith.constant 1024 : i32
    %dma_wait3A_274 = arith.constant 0 : i32
    %dma_wait3A_275 = tpu.memref_slice %arg6[%dma_wait3A_273, %dma_wait3A_274] : memref<3328x32xf32, #tpu.memory_space<vmem>> -> memref<128x32xf32, #tpu.memory_space<vmem>>
    %dma_wait3A_276 = arith.constant 1024 : i32
    %dma_wait3A_277 = tpu.memref_slice %arg5[%dma_wait3A_276] : memref<3328xi32, #tpu.memory_space<vmem>> -> memref<128xi32, #tpu.memory_space<vmem>>
    %dma_wait3A_278 = arith.constant 0 : i32
    %dma_wait3A_279 = arith.constant 0 : i32
    %dma_wait3A_280 = tpu.memref_slice %arg2[%dma_wait3A_278, %dma_wait3A_279] : memref<1007616x32xf32, #tpu.memory_space<hbm>> -> memref<1007616x32xf32, #tpu.memory_space<hbm>>
    tpu.wait_indirect_dma semaphore(%arg7 : memref<!tpu.dma_semaphore, #tpu.memory_space<semaphore_mem>>) src(%dma_wait3A_280 : memref<1007616x32xf32, #tpu.memory_space<hbm>>) dst(%dma_wait3A_275 : memref<128x32xf32, #tpu.memory_space<vmem>>)
    %dma_wait3A_281 = arith.constant 1152 : i32
    %dma_wait3A_282 = arith.constant 0 : i32
    %dma_wait3A_283 = tpu.memref_slice %arg6[%dma_wait3A_281, %dma_wait3A_282] : memref<3328x32xf32, #tpu.memory_space<vmem>> -> memref<128x32xf32, #tpu.memory_space<vmem>>
    %dma_wait3A_284 = arith.constant 1152 : i32
    %dma_wait3A_285 = tpu.memref_slice %arg5[%dma_wait3A_284] : memref<3328xi32, #tpu.memory_space<vmem>> -> memref<128xi32, #tpu.memory_space<vmem>>
    %dma_wait3A_286 = arith.constant 0 : i32
    %dma_wait3A_287 = arith.constant 0 : i32
    %dma_wait3A_288 = tpu.memref_slice %arg2[%dma_wait3A_286, %dma_wait3A_287] : memref<1007616x32xf32, #tpu.memory_space<hbm>> -> memref<1007616x32xf32, #tpu.memory_space<hbm>>
    tpu.wait_indirect_dma semaphore(%arg7 : memref<!tpu.dma_semaphore, #tpu.memory_space<semaphore_mem>>) src(%dma_wait3A_288 : memref<1007616x32xf32, #tpu.memory_space<hbm>>) dst(%dma_wait3A_283 : memref<128x32xf32, #tpu.memory_space<vmem>>)
    %dma_wait3A_289 = arith.constant 1280 : i32
    %dma_wait3A_290 = arith.constant 0 : i32
    %dma_wait3A_291 = tpu.memref_slice %arg6[%dma_wait3A_289, %dma_wait3A_290] : memref<3328x32xf32, #tpu.memory_space<vmem>> -> memref<128x32xf32, #tpu.memory_space<vmem>>
    %dma_wait3A_292 = arith.constant 1280 : i32
    %dma_wait3A_293 = tpu.memref_slice %arg5[%dma_wait3A_292] : memref<3328xi32, #tpu.memory_space<vmem>> -> memref<128xi32, #tpu.memory_space<vmem>>
    %dma_wait3A_294 = arith.constant 0 : i32
    %dma_wait3A_295 = arith.constant 0 : i32
    %dma_wait3A_296 = tpu.memref_slice %arg2[%dma_wait3A_294, %dma_wait3A_295] : memref<1007616x32xf32, #tpu.memory_space<hbm>> -> memref<1007616x32xf32, #tpu.memory_space<hbm>>
    tpu.wait_indirect_dma semaphore(%arg7 : memref<!tpu.dma_semaphore, #tpu.memory_space<semaphore_mem>>) src(%dma_wait3A_296 : memref<1007616x32xf32, #tpu.memory_space<hbm>>) dst(%dma_wait3A_291 : memref<128x32xf32, #tpu.memory_space<vmem>>)
    %dma_wait3A_297 = arith.constant 1408 : i32
    %dma_wait3A_298 = arith.constant 0 : i32
    %dma_wait3A_299 = tpu.memref_slice %arg6[%dma_wait3A_297, %dma_wait3A_298] : memref<3328x32xf32, #tpu.memory_space<vmem>> -> memref<128x32xf32, #tpu.memory_space<vmem>>
    %dma_wait3A_300 = arith.constant 1408 : i32
    %dma_wait3A_301 = tpu.memref_slice %arg5[%dma_wait3A_300] : memref<3328xi32, #tpu.memory_space<vmem>> -> memref<128xi32, #tpu.memory_space<vmem>>
    %dma_wait3A_302 = arith.constant 0 : i32
    %dma_wait3A_303 = arith.constant 0 : i32
    %dma_wait3A_304 = tpu.memref_slice %arg2[%dma_wait3A_302, %dma_wait3A_303] : memref<1007616x32xf32, #tpu.memory_space<hbm>> -> memref<1007616x32xf32, #tpu.memory_space<hbm>>
    tpu.wait_indirect_dma semaphore(%arg7 : memref<!tpu.dma_semaphore, #tpu.memory_space<semaphore_mem>>) src(%dma_wait3A_304 : memref<1007616x32xf32, #tpu.memory_space<hbm>>) dst(%dma_wait3A_299 : memref<128x32xf32, #tpu.memory_space<vmem>>)
    %dma_wait3A_305 = arith.constant 1536 : i32
    %dma_wait3A_306 = arith.constant 0 : i32
    %dma_wait3A_307 = tpu.memref_slice %arg6[%dma_wait3A_305, %dma_wait3A_306] : memref<3328x32xf32, #tpu.memory_space<vmem>> -> memref<128x32xf32, #tpu.memory_space<vmem>>
    %dma_wait3A_308 = arith.constant 1536 : i32
    %dma_wait3A_309 = tpu.memref_slice %arg5[%dma_wait3A_308] : memref<3328xi32, #tpu.memory_space<vmem>> -> memref<128xi32, #tpu.memory_space<vmem>>
    %dma_wait3A_310 = arith.constant 0 : i32
    %dma_wait3A_311 = arith.constant 0 : i32
    %dma_wait3A_312 = tpu.memref_slice %arg2[%dma_wait3A_310, %dma_wait3A_311] : memref<1007616x32xf32, #tpu.memory_space<hbm>> -> memref<1007616x32xf32, #tpu.memory_space<hbm>>
    tpu.wait_indirect_dma semaphore(%arg7 : memref<!tpu.dma_semaphore, #tpu.memory_space<semaphore_mem>>) src(%dma_wait3A_312 : memref<1007616x32xf32, #tpu.memory_space<hbm>>) dst(%dma_wait3A_307 : memref<128x32xf32, #tpu.memory_space<vmem>>)
    %dma_wait3A_313 = arith.constant 1664 : i32
    %dma_wait3A_314 = arith.constant 0 : i32
    %dma_wait3A_315 = tpu.memref_slice %arg6[%dma_wait3A_313, %dma_wait3A_314] : memref<3328x32xf32, #tpu.memory_space<vmem>> -> memref<128x32xf32, #tpu.memory_space<vmem>>
    %dma_wait3A_316 = arith.constant 1664 : i32
    %dma_wait3A_317 = tpu.memref_slice %arg5[%dma_wait3A_316] : memref<3328xi32, #tpu.memory_space<vmem>> -> memref<128xi32, #tpu.memory_space<vmem>>
    %dma_wait3A_318 = arith.constant 0 : i32
    %dma_wait3A_319 = arith.constant 0 : i32
    %dma_wait3A_320 = tpu.memref_slice %arg2[%dma_wait3A_318, %dma_wait3A_319] : memref<1007616x32xf32, #tpu.memory_space<hbm>> -> memref<1007616x32xf32, #tpu.memory_space<hbm>>
    tpu.wait_indirect_dma semaphore(%arg7 : memref<!tpu.dma_semaphore, #tpu.memory_space<semaphore_mem>>) src(%dma_wait3A_320 : memref<1007616x32xf32, #tpu.memory_space<hbm>>) dst(%dma_wait3A_315 : memref<128x32xf32, #tpu.memory_space<vmem>>)
    %dma_wait3A_321 = arith.constant 1792 : i32
    %dma_wait3A_322 = arith.constant 0 : i32
    %dma_wait3A_323 = tpu.memref_slice %arg6[%dma_wait3A_321, %dma_wait3A_322] : memref<3328x32xf32, #tpu.memory_space<vmem>> -> memref<128x32xf32, #tpu.memory_space<vmem>>
    %dma_wait3A_324 = arith.constant 1792 : i32
    %dma_wait3A_325 = tpu.memref_slice %arg5[%dma_wait3A_324] : memref<3328xi32, #tpu.memory_space<vmem>> -> memref<128xi32, #tpu.memory_space<vmem>>
    %dma_wait3A_326 = arith.constant 0 : i32
    %dma_wait3A_327 = arith.constant 0 : i32
    %dma_wait3A_328 = tpu.memref_slice %arg2[%dma_wait3A_326, %dma_wait3A_327] : memref<1007616x32xf32, #tpu.memory_space<hbm>> -> memref<1007616x32xf32, #tpu.memory_space<hbm>>
    tpu.wait_indirect_dma semaphore(%arg7 : memref<!tpu.dma_semaphore, #tpu.memory_space<semaphore_mem>>) src(%dma_wait3A_328 : memref<1007616x32xf32, #tpu.memory_space<hbm>>) dst(%dma_wait3A_323 : memref<128x32xf32, #tpu.memory_space<vmem>>)
    %dma_wait3A_329 = arith.constant 1920 : i32
    %dma_wait3A_330 = arith.constant 0 : i32
    %dma_wait3A_331 = tpu.memref_slice %arg6[%dma_wait3A_329, %dma_wait3A_330] : memref<3328x32xf32, #tpu.memory_space<vmem>> -> memref<128x32xf32, #tpu.memory_space<vmem>>
    %dma_wait3A_332 = arith.constant 1920 : i32
    %dma_wait3A_333 = tpu.memref_slice %arg5[%dma_wait3A_332] : memref<3328xi32, #tpu.memory_space<vmem>> -> memref<128xi32, #tpu.memory_space<vmem>>
    %dma_wait3A_334 = arith.constant 0 : i32
    %dma_wait3A_335 = arith.constant 0 : i32
    %dma_wait3A_336 = tpu.memref_slice %arg2[%dma_wait3A_334, %dma_wait3A_335] : memref<1007616x32xf32, #tpu.memory_space<hbm>> -> memref<1007616x32xf32, #tpu.memory_space<hbm>>
    tpu.wait_indirect_dma semaphore(%arg7 : memref<!tpu.dma_semaphore, #tpu.memory_space<semaphore_mem>>) src(%dma_wait3A_336 : memref<1007616x32xf32, #tpu.memory_space<hbm>>) dst(%dma_wait3A_331 : memref<128x32xf32, #tpu.memory_space<vmem>>)
    %dma_wait3A_337 = arith.constant 2048 : i32
    %dma_wait3A_338 = arith.constant 0 : i32
    %dma_wait3A_339 = tpu.memref_slice %arg6[%dma_wait3A_337, %dma_wait3A_338] : memref<3328x32xf32, #tpu.memory_space<vmem>> -> memref<128x32xf32, #tpu.memory_space<vmem>>
    %dma_wait3A_340 = arith.constant 2048 : i32
    %dma_wait3A_341 = tpu.memref_slice %arg5[%dma_wait3A_340] : memref<3328xi32, #tpu.memory_space<vmem>> -> memref<128xi32, #tpu.memory_space<vmem>>
    %dma_wait3A_342 = arith.constant 0 : i32
    %dma_wait3A_343 = arith.constant 0 : i32
    %dma_wait3A_344 = tpu.memref_slice %arg2[%dma_wait3A_342, %dma_wait3A_343] : memref<1007616x32xf32, #tpu.memory_space<hbm>> -> memref<1007616x32xf32, #tpu.memory_space<hbm>>
    tpu.wait_indirect_dma semaphore(%arg7 : memref<!tpu.dma_semaphore, #tpu.memory_space<semaphore_mem>>) src(%dma_wait3A_344 : memref<1007616x32xf32, #tpu.memory_space<hbm>>) dst(%dma_wait3A_339 : memref<128x32xf32, #tpu.memory_space<vmem>>)
    %dma_wait3A_345 = arith.constant 2176 : i32
    %dma_wait3A_346 = arith.constant 0 : i32
    %dma_wait3A_347 = tpu.memref_slice %arg6[%dma_wait3A_345, %dma_wait3A_346] : memref<3328x32xf32, #tpu.memory_space<vmem>> -> memref<128x32xf32, #tpu.memory_space<vmem>>
    %dma_wait3A_348 = arith.constant 2176 : i32
    %dma_wait3A_349 = tpu.memref_slice %arg5[%dma_wait3A_348] : memref<3328xi32, #tpu.memory_space<vmem>> -> memref<128xi32, #tpu.memory_space<vmem>>
    %dma_wait3A_350 = arith.constant 0 : i32
    %dma_wait3A_351 = arith.constant 0 : i32
    %dma_wait3A_352 = tpu.memref_slice %arg2[%dma_wait3A_350, %dma_wait3A_351] : memref<1007616x32xf32, #tpu.memory_space<hbm>> -> memref<1007616x32xf32, #tpu.memory_space<hbm>>
    tpu.wait_indirect_dma semaphore(%arg7 : memref<!tpu.dma_semaphore, #tpu.memory_space<semaphore_mem>>) src(%dma_wait3A_352 : memref<1007616x32xf32, #tpu.memory_space<hbm>>) dst(%dma_wait3A_347 : memref<128x32xf32, #tpu.memory_space<vmem>>)
    %dma_wait3A_353 = arith.constant 2304 : i32
    %dma_wait3A_354 = arith.constant 0 : i32
    %dma_wait3A_355 = tpu.memref_slice %arg6[%dma_wait3A_353, %dma_wait3A_354] : memref<3328x32xf32, #tpu.memory_space<vmem>> -> memref<128x32xf32, #tpu.memory_space<vmem>>
    %dma_wait3A_356 = arith.constant 2304 : i32
    %dma_wait3A_357 = tpu.memref_slice %arg5[%dma_wait3A_356] : memref<3328xi32, #tpu.memory_space<vmem>> -> memref<128xi32, #tpu.memory_space<vmem>>
    %dma_wait3A_358 = arith.constant 0 : i32
    %dma_wait3A_359 = arith.constant 0 : i32
    %dma_wait3A_360 = tpu.memref_slice %arg2[%dma_wait3A_358, %dma_wait3A_359] : memref<1007616x32xf32, #tpu.memory_space<hbm>> -> memref<1007616x32xf32, #tpu.memory_space<hbm>>
    tpu.wait_indirect_dma semaphore(%arg7 : memref<!tpu.dma_semaphore, #tpu.memory_space<semaphore_mem>>) src(%dma_wait3A_360 : memref<1007616x32xf32, #tpu.memory_space<hbm>>) dst(%dma_wait3A_355 : memref<128x32xf32, #tpu.memory_space<vmem>>)
    %dma_wait3A_361 = arith.constant 2432 : i32
    %dma_wait3A_362 = arith.constant 0 : i32
    %dma_wait3A_363 = tpu.memref_slice %arg6[%dma_wait3A_361, %dma_wait3A_362] : memref<3328x32xf32, #tpu.memory_space<vmem>> -> memref<128x32xf32, #tpu.memory_space<vmem>>
    %dma_wait3A_364 = arith.constant 2432 : i32
    %dma_wait3A_365 = tpu.memref_slice %arg5[%dma_wait3A_364] : memref<3328xi32, #tpu.memory_space<vmem>> -> memref<128xi32, #tpu.memory_space<vmem>>
    %dma_wait3A_366 = arith.constant 0 : i32
    %dma_wait3A_367 = arith.constant 0 : i32
    %dma_wait3A_368 = tpu.memref_slice %arg2[%dma_wait3A_366, %dma_wait3A_367] : memref<1007616x32xf32, #tpu.memory_space<hbm>> -> memref<1007616x32xf32, #tpu.memory_space<hbm>>
    tpu.wait_indirect_dma semaphore(%arg7 : memref<!tpu.dma_semaphore, #tpu.memory_space<semaphore_mem>>) src(%dma_wait3A_368 : memref<1007616x32xf32, #tpu.memory_space<hbm>>) dst(%dma_wait3A_363 : memref<128x32xf32, #tpu.memory_space<vmem>>)
    %dma_wait3A_369 = arith.constant 2560 : i32
    %dma_wait3A_370 = arith.constant 0 : i32
    %dma_wait3A_371 = tpu.memref_slice %arg6[%dma_wait3A_369, %dma_wait3A_370] : memref<3328x32xf32, #tpu.memory_space<vmem>> -> memref<128x32xf32, #tpu.memory_space<vmem>>
    %dma_wait3A_372 = arith.constant 2560 : i32
    %dma_wait3A_373 = tpu.memref_slice %arg5[%dma_wait3A_372] : memref<3328xi32, #tpu.memory_space<vmem>> -> memref<128xi32, #tpu.memory_space<vmem>>
    %dma_wait3A_374 = arith.constant 0 : i32
    %dma_wait3A_375 = arith.constant 0 : i32
    %dma_wait3A_376 = tpu.memref_slice %arg2[%dma_wait3A_374, %dma_wait3A_375] : memref<1007616x32xf32, #tpu.memory_space<hbm>> -> memref<1007616x32xf32, #tpu.memory_space<hbm>>
    tpu.wait_indirect_dma semaphore(%arg7 : memref<!tpu.dma_semaphore, #tpu.memory_space<semaphore_mem>>) src(%dma_wait3A_376 : memref<1007616x32xf32, #tpu.memory_space<hbm>>) dst(%dma_wait3A_371 : memref<128x32xf32, #tpu.memory_space<vmem>>)
    %dma_wait3A_377 = arith.constant 2688 : i32
    %dma_wait3A_378 = arith.constant 0 : i32
    %dma_wait3A_379 = tpu.memref_slice %arg6[%dma_wait3A_377, %dma_wait3A_378] : memref<3328x32xf32, #tpu.memory_space<vmem>> -> memref<128x32xf32, #tpu.memory_space<vmem>>
    %dma_wait3A_380 = arith.constant 2688 : i32
    %dma_wait3A_381 = tpu.memref_slice %arg5[%dma_wait3A_380] : memref<3328xi32, #tpu.memory_space<vmem>> -> memref<128xi32, #tpu.memory_space<vmem>>
    %dma_wait3A_382 = arith.constant 0 : i32
    %dma_wait3A_383 = arith.constant 0 : i32
    %dma_wait3A_384 = tpu.memref_slice %arg2[%dma_wait3A_382, %dma_wait3A_383] : memref<1007616x32xf32, #tpu.memory_space<hbm>> -> memref<1007616x32xf32, #tpu.memory_space<hbm>>
    tpu.wait_indirect_dma semaphore(%arg7 : memref<!tpu.dma_semaphore, #tpu.memory_space<semaphore_mem>>) src(%dma_wait3A_384 : memref<1007616x32xf32, #tpu.memory_space<hbm>>) dst(%dma_wait3A_379 : memref<128x32xf32, #tpu.memory_space<vmem>>)
    %dma_wait3A_385 = arith.constant 2816 : i32
    %dma_wait3A_386 = arith.constant 0 : i32
    %dma_wait3A_387 = tpu.memref_slice %arg6[%dma_wait3A_385, %dma_wait3A_386] : memref<3328x32xf32, #tpu.memory_space<vmem>> -> memref<128x32xf32, #tpu.memory_space<vmem>>
    %dma_wait3A_388 = arith.constant 2816 : i32
    %dma_wait3A_389 = tpu.memref_slice %arg5[%dma_wait3A_388] : memref<3328xi32, #tpu.memory_space<vmem>> -> memref<128xi32, #tpu.memory_space<vmem>>
    %dma_wait3A_390 = arith.constant 0 : i32
    %dma_wait3A_391 = arith.constant 0 : i32
    %dma_wait3A_392 = tpu.memref_slice %arg2[%dma_wait3A_390, %dma_wait3A_391] : memref<1007616x32xf32, #tpu.memory_space<hbm>> -> memref<1007616x32xf32, #tpu.memory_space<hbm>>
    tpu.wait_indirect_dma semaphore(%arg7 : memref<!tpu.dma_semaphore, #tpu.memory_space<semaphore_mem>>) src(%dma_wait3A_392 : memref<1007616x32xf32, #tpu.memory_space<hbm>>) dst(%dma_wait3A_387 : memref<128x32xf32, #tpu.memory_space<vmem>>)
    %dma_wait3A_393 = arith.constant 2944 : i32
    %dma_wait3A_394 = arith.constant 0 : i32
    %dma_wait3A_395 = tpu.memref_slice %arg6[%dma_wait3A_393, %dma_wait3A_394] : memref<3328x32xf32, #tpu.memory_space<vmem>> -> memref<128x32xf32, #tpu.memory_space<vmem>>
    %dma_wait3A_396 = arith.constant 2944 : i32
    %dma_wait3A_397 = tpu.memref_slice %arg5[%dma_wait3A_396] : memref<3328xi32, #tpu.memory_space<vmem>> -> memref<128xi32, #tpu.memory_space<vmem>>
    %dma_wait3A_398 = arith.constant 0 : i32
    %dma_wait3A_399 = arith.constant 0 : i32
    %dma_wait3A_400 = tpu.memref_slice %arg2[%dma_wait3A_398, %dma_wait3A_399] : memref<1007616x32xf32, #tpu.memory_space<hbm>> -> memref<1007616x32xf32, #tpu.memory_space<hbm>>
    tpu.wait_indirect_dma semaphore(%arg7 : memref<!tpu.dma_semaphore, #tpu.memory_space<semaphore_mem>>) src(%dma_wait3A_400 : memref<1007616x32xf32, #tpu.memory_space<hbm>>) dst(%dma_wait3A_395 : memref<128x32xf32, #tpu.memory_space<vmem>>)
    %dma_wait3A_401 = arith.constant 3072 : i32
    %dma_wait3A_402 = arith.constant 0 : i32
    %dma_wait3A_403 = tpu.memref_slice %arg6[%dma_wait3A_401, %dma_wait3A_402] : memref<3328x32xf32, #tpu.memory_space<vmem>> -> memref<128x32xf32, #tpu.memory_space<vmem>>
    %dma_wait3A_404 = arith.constant 3072 : i32
    %dma_wait3A_405 = tpu.memref_slice %arg5[%dma_wait3A_404] : memref<3328xi32, #tpu.memory_space<vmem>> -> memref<128xi32, #tpu.memory_space<vmem>>
    %dma_wait3A_406 = arith.constant 0 : i32
    %dma_wait3A_407 = arith.constant 0 : i32
    %dma_wait3A_408 = tpu.memref_slice %arg2[%dma_wait3A_406, %dma_wait3A_407] : memref<1007616x32xf32, #tpu.memory_space<hbm>> -> memref<1007616x32xf32, #tpu.memory_space<hbm>>
    tpu.wait_indirect_dma semaphore(%arg7 : memref<!tpu.dma_semaphore, #tpu.memory_space<semaphore_mem>>) src(%dma_wait3A_408 : memref<1007616x32xf32, #tpu.memory_space<hbm>>) dst(%dma_wait3A_403 : memref<128x32xf32, #tpu.memory_space<vmem>>)
    %dma_wait3A_409 = arith.constant 3200 : i32
    %dma_wait3A_410 = arith.constant 0 : i32
    %dma_wait3A_411 = tpu.memref_slice %arg6[%dma_wait3A_409, %dma_wait3A_410] : memref<3328x32xf32, #tpu.memory_space<vmem>> -> memref<128x32xf32, #tpu.memory_space<vmem>>
    %dma_wait3A_412 = arith.constant 3200 : i32
    %dma_wait3A_413 = tpu.memref_slice %arg5[%dma_wait3A_412] : memref<3328xi32, #tpu.memory_space<vmem>> -> memref<128xi32, #tpu.memory_space<vmem>>
    %dma_wait3A_414 = arith.constant 0 : i32
    %dma_wait3A_415 = arith.constant 0 : i32
    %dma_wait3A_416 = tpu.memref_slice %arg2[%dma_wait3A_414, %dma_wait3A_415] : memref<1007616x32xf32, #tpu.memory_space<hbm>> -> memref<1007616x32xf32, #tpu.memory_space<hbm>>
    tpu.wait_indirect_dma semaphore(%arg7 : memref<!tpu.dma_semaphore, #tpu.memory_space<semaphore_mem>>) src(%dma_wait3A_416 : memref<1007616x32xf32, #tpu.memory_space<hbm>>) dst(%dma_wait3A_411 : memref<128x32xf32, #tpu.memory_space<vmem>>)
    "tpu.region"() ({
      %run_scoped3A = tpu.sem_alloc : memref<!tpu.dma_semaphore, #tpu.memory_space<semaphore_mem>>
      %dma_start3A_417 = arith.constant 0 : i32
      %dma_start3A_418 = tpu.memref_slice %arg4[%mul3A_2, %dma_start3A_417] : memref<106496x32xf32, #tpu.memory_space<hbm>> -> memref<3328x32xf32, #tpu.memory_space<hbm>>
      %dma_start3A_419 = arith.constant 0 : i32
      %dma_start3A_420 = tpu.memref_slice %arg4[%mul3A_2, %dma_start3A_419] : memref<106496x32xf32, #tpu.memory_space<hbm>> -> memref<3328x32xf32, #tpu.memory_space<hbm>>
      tpu.enqueue_dma source(%arg6 : memref<3328x32xf32, #tpu.memory_space<vmem>>) target(%dma_start3A_420 : memref<3328x32xf32, #tpu.memory_space<hbm>>) target_semaphore(%run_scoped3A : memref<!tpu.dma_semaphore, #tpu.memory_space<semaphore_mem>>)
      %dma_wait3A_421 = arith.constant 0 : i32
      %dma_wait3A_422 = tpu.memref_slice %arg4[%mul3A_2, %dma_wait3A_421] : memref<106496x32xf32, #tpu.memory_space<hbm>> -> memref<3328x32xf32, #tpu.memory_space<hbm>>
      %dma_wait3A_423 = arith.constant 0 : i32
      %dma_wait3A_424 = tpu.memref_slice %arg4[%mul3A_2, %dma_wait3A_423] : memref<106496x32xf32, #tpu.memory_space<hbm>> -> memref<3328x32xf32, #tpu.memory_space<hbm>>
      tpu.wait_dma2 semaphore(%run_scoped3A : memref<!tpu.dma_semaphore, #tpu.memory_space<semaphore_mem>>) src(%arg6 : memref<3328x32xf32, #tpu.memory_space<vmem>>) dst(%dma_wait3A_424 : memref<3328x32xf32, #tpu.memory_space<hbm>>)
      tpu.yield
    }) : () -> ()
    return
  }
}

module attributes {stable_mosaic.version = 14 : i64} {
  func.func @_repack_body(%arg0: i32, %arg1: memref<30x2048xf32, #tpu.memory_space<vmem>>, %arg2: memref<30x2048xf32, #tpu.memory_space<vmem>>, %arg3: memref<30x2048xf32, #tpu.memory_space<vmem>>, %arg4: memref<30x2048xf32, #tpu.memory_space<vmem>>, %arg5: memref<2048x128xf32, #tpu.memory_space<vmem>>) attributes {dimension_semantics = [#tpu.dimension_semantics<arbitrary>], iteration_bounds = array<i64: 123>, scalar_prefetch = 0 : i64, scratch_operands = 0 : i64, tpu.core_type = #tpu.core_type<tc>, window_params = [{transform_indices = @transform_0, window_bounds = array<i64: 30, 2048>}, {transform_indices = @transform_1, window_bounds = array<i64: 30, 2048>}, {transform_indices = @transform_2, window_bounds = array<i64: 30, 2048>}, {transform_indices = @transform_3, window_bounds = array<i64: 30, 2048>}, {transform_indices = @transform_4, window_bounds = array<i64: 2048, 128>}]} {
    %broadcast_in_dim3A = arith.constant 0.000000e+00 : f32
    %broadcast_in_dim3A_0 = vector.broadcast %broadcast_in_dim3A : f32 to vector<2x2048xf32>
    %get3A = arith.constant 0 : index
    %get3A_1 = arith.constant 0 : index
    %get3A_2 = vector.load %arg1[%get3A, %get3A_1] : memref<30x2048xf32, #tpu.memory_space<vmem>>, vector<30x2048xf32>
    %get3A_3 = arith.constant 0 : index
    %get3A_4 = arith.constant 0 : index
    %get3A_5 = vector.load %arg2[%get3A_3, %get3A_4] : memref<30x2048xf32, #tpu.memory_space<vmem>>, vector<30x2048xf32>
    %get3A_6 = arith.constant 0 : index
    %get3A_7 = arith.constant 0 : index
    %get3A_8 = vector.load %arg3[%get3A_6, %get3A_7] : memref<30x2048xf32, #tpu.memory_space<vmem>>, vector<30x2048xf32>
    %get3A_9 = arith.constant 0 : index
    %get3A_10 = arith.constant 0 : index
    %get3A_11 = vector.load %arg4[%get3A_9, %get3A_10] : memref<30x2048xf32, #tpu.memory_space<vmem>>, vector<30x2048xf32>
    %concatenate3A = tpu.concatenate %get3A_2, %broadcast_in_dim3A_0, %get3A_5, %broadcast_in_dim3A_0, %get3A_8, %broadcast_in_dim3A_0, %get3A_11, %broadcast_in_dim3A_0 in 0 : vector<30x2048xf32>, vector<2x2048xf32>, vector<30x2048xf32>, vector<2x2048xf32>, vector<30x2048xf32>, vector<2x2048xf32>, vector<30x2048xf32>, vector<2x2048xf32> -> vector<128x2048xf32>
    %transpose3A = tpu.transpose %concatenate3A, [1, 0] : vector<128x2048xf32> -> vector<2048x128xf32>
    %swap3A = arith.constant 0 : index
    %swap3A_12 = arith.constant 0 : index
    %swap3A_13 = vector.load %arg5[%swap3A, %swap3A_12] : memref<2048x128xf32, #tpu.memory_space<vmem>>, vector<2048x128xf32>
    tpu.vector_store %arg5[%swap3A, %swap3A_12], %transpose3A {strides = array<i32>} : memref<2048x128xf32, #tpu.memory_space<vmem>>, vector<2048x128xf32>,
    return
  }
  func.func @transform_0(%arg0: i32) -> (i32, i32) {
    %add3A = arith.constant 0 : i32
    %add3A_0 = arith.addi %arg0, %add3A : i32
    %c0_i32 = arith.constant 0 : i32
    %c0_i32_1 = arith.constant 0 : i32
    return %c0_i32, %add3A_0 : i32, i32
  }
  func.func @transform_1(%arg0: i32) -> (i32, i32) {
    %add3A = arith.constant 123 : i32
    %add3A_0 = arith.addi %arg0, %add3A : i32
    %c0_i32 = arith.constant 0 : i32
    %c0_i32_1 = arith.constant 0 : i32
    return %c0_i32, %add3A_0 : i32, i32
  }
  func.func @transform_2(%arg0: i32) -> (i32, i32) {
    %add3A = arith.constant 246 : i32
    %add3A_0 = arith.addi %arg0, %add3A : i32
    %c0_i32 = arith.constant 0 : i32
    %c0_i32_1 = arith.constant 0 : i32
    return %c0_i32, %add3A_0 : i32, i32
  }
  func.func @transform_3(%arg0: i32) -> (i32, i32) {
    %c0_i32 = arith.constant 0 : i32
    %c0_i32_0 = arith.constant 0 : i32
    return %c0_i32, %arg0 : i32, i32
  }
  func.func @transform_4(%arg0: i32) -> (i32, i32) {
    %c0_i32 = arith.constant 0 : i32
    %c0_i32_0 = arith.constant 0 : i32
    return %arg0, %c0_i32 : i32, i32
  }
}

module attributes {stable_mosaic.version = 14 : i64} {
  func.func @_tc_normalize_body(%arg0: memref<4096x780xf32, #tpu.memory_space<vmem>>, %arg1: memref<1x130xf32, #tpu.memory_space<vmem>>, %arg2: memref<4096x780xf32, #tpu.memory_space<vmem>>) attributes {dimension_semantics = [], scalar_prefetch = 0 : i64, scratch_operands = 0 : i64, tpu.core_type = #tpu.core_type<tc>} {
    %get3A = arith.constant 0 : index
    %get3A_0 = arith.constant 0 : index
    %get3A_1 = vector.load %arg0[%get3A, %get3A_0] : memref<4096x780xf32, #tpu.memory_space<vmem>>, vector<4096x780xf32>
    %reduce_sum3A = arith.constant dense<0.000000e+00> : vector<780xf32>
    %reduce_sum3A_2 = vector.multi_reduction <add>, %get3A_1, %reduce_sum3A [0] : vector<4096x780xf32> to vector<780xf32>
    %broadcast_in_dim3A = vector.shape_cast %reduce_sum3A_2 : vector<780xf32> to vector<1x780xf32>
    %mul3A = arith.mulf %get3A_1, %get3A_1 : vector<4096x780xf32>
    %reduce_sum3A_3 = arith.constant dense<0.000000e+00> : vector<780xf32>
    %reduce_sum3A_4 = vector.multi_reduction <add>, %mul3A, %reduce_sum3A_3 [0] : vector<4096x780xf32> to vector<780xf32>
    %broadcast_in_dim3A_5 = vector.shape_cast %reduce_sum3A_4 : vector<780xf32> to vector<1x780xf32>
    %iota3A = tpu.iota {dimensions = array<i32: 0>} : vector<780x26xi32>
    %iota3A_6 = tpu.iota {dimensions = array<i32: 1>} : vector<780x26xi32>
    %jit3A = arith.constant 30 : i32
    %div3A = vector.broadcast %jit3A : i32 to vector<780x26xi32>
    %div3A_7 = arith.divsi %iota3A, %div3A : vector<780x26xi32>
    %sign3A = arith.constant 0 : i32
    %sign3A_8 = vector.broadcast %sign3A : i32 to vector<780x26xi32>
    %sign3A_9 = arith.cmpi sgt, %iota3A, %sign3A_8 : vector<780x26xi32>
    %sign3A_10 = arith.extui %sign3A_9 : vector<780x26xi1> to vector<780x26xi32>
    %sign3A_11 = arith.constant 0 : i32
    %sign3A_12 = vector.broadcast %sign3A_11 : i32 to vector<780x26xi32>
    %sign3A_13 = arith.cmpi slt, %iota3A, %sign3A_12 : vector<780x26xi32>
    %sign3A_14 = arith.extui %sign3A_13 : vector<780x26xi1> to vector<780x26xi32>
    %sign3A_15 = arith.subi %sign3A_10, %sign3A_14 : vector<780x26xi32>
    %sign3A_16 = arith.constant 0 : i32
    %sign3A_17 = arith.cmpi sgt, %jit3A, %sign3A_16 : i32
    %sign3A_18 = arith.extui %sign3A_17 : i1 to i32
    %sign3A_19 = arith.constant 0 : i32
    %sign3A_20 = arith.cmpi slt, %jit3A, %sign3A_19 : i32
    %sign3A_21 = arith.extui %sign3A_20 : i1 to i32
    %sign3A_22 = arith.subi %sign3A_18, %sign3A_21 : i32
    %ne3A = vector.broadcast %sign3A_22 : i32 to vector<780x26xi32>
    %ne3A_23 = arith.cmpi ne, %sign3A_15, %ne3A : vector<780x26xi32>
    %rem3A = vector.broadcast %jit3A : i32 to vector<780x26xi32>
    %rem3A_24 = arith.remsi %iota3A, %rem3A : vector<780x26xi32>
    %ne3A_25 = arith.constant 0 : i32
    %ne3A_26 = vector.broadcast %ne3A_25 : i32 to vector<780x26xi32>
    %ne3A_27 = arith.cmpi ne, %rem3A_24, %ne3A_26 : vector<780x26xi32>
    %and3A = arith.andi %ne3A_23, %ne3A_27 : vector<780x26xi1>
    %sub3A = arith.constant 1 : i32
    %sub3A_28 = vector.broadcast %sub3A : i32 to vector<780x26xi32>
    %sub3A_29 = arith.subi %div3A_7, %sub3A_28 : vector<780x26xi32>
    %select_n3A = arith.select %and3A, %sub3A_29, %div3A_7 : vector<780x26xi1>, vector<780x26xi32>
    %eq3A = arith.cmpi eq, %select_n3A, %iota3A_6 : vector<780x26xi32>
    %convert_element_type3A = arith.extui %eq3A : vector<780x26xi1> to vector<780x26xi32>
    %convert_element_type3A_30 = arith.sitofp %convert_element_type3A : vector<780x26xi32> to vector<780x26xf32>
    %dot_general3A = arith.constant dense<0.000000e+00> : vector<1x26xf32>
    %dot_general3A_31 = tpu.matmul %broadcast_in_dim3A, %convert_element_type3A_30, %dot_general3A {dimension_numbers = #tpu.dot_dimension_numbers<[1], [0], [0], [1], [0, 0, 1, 1], [], []>, precision = #tpu.contract_precision<fp32>, transpose_lhs_hint = false} : vector<1x780xf32>, vector<780x26xf32>, vector<1x26xf32> -> vector<1x26xf32>
    %dot_general3A_32 = arith.constant dense<0.000000e+00> : vector<1x26xf32>
    %dot_general3A_33 = tpu.matmul %broadcast_in_dim3A_5, %convert_element_type3A_30, %dot_general3A_32 {dimension_numbers = #tpu.dot_dimension_numbers<[1], [0], [0], [1], [0, 0, 1, 1], [], []>, precision = #tpu.contract_precision<fp32>, transpose_lhs_hint = false} : vector<1x780xf32>, vector<780x26xf32>, vector<1x26xf32> -> vector<1x26xf32>
    %div3A_34 = arith.constant 1.228800e+05 : f32
    %div3A_35 = vector.broadcast %div3A_34 : f32 to vector<1x26xf32>
    %div3A_36 = arith.divf %dot_general3A_31, %div3A_35 : vector<1x26xf32>
    %div3A_37 = arith.constant 1.228800e+05 : f32
    %div3A_38 = vector.broadcast %div3A_37 : f32 to vector<1x26xf32>
    %div3A_39 = arith.divf %dot_general3A_33, %div3A_38 : vector<1x26xf32>
    %mul3A_40 = arith.mulf %div3A_36, %div3A_36 : vector<1x26xf32>
    %sub3A_41 = arith.subf %div3A_39, %mul3A_40 : vector<1x26xf32>
    %add3A = arith.constant 9.99999974E-6 : f32
    %add3A_42 = vector.broadcast %add3A : f32 to vector<1x26xf32>
    %add3A_43 = arith.addf %sub3A_41, %add3A_42 : vector<1x26xf32>
    %rsqrt3A = math.rsqrt %add3A_43 : vector<1x26xf32>
    %transpose3A = tpu.transpose %convert_element_type3A_30, [1, 0] : vector<780x26xf32> -> vector<26x780xf32>
    %dot_general3A_44 = arith.constant dense<0.000000e+00> : vector<1x780xf32>
    %dot_general3A_45 = tpu.matmul %div3A_36, %transpose3A, %dot_general3A_44 {dimension_numbers = #tpu.dot_dimension_numbers<[1], [0], [0], [1], [0, 0, 1, 1], [], []>, precision = #tpu.contract_precision<fp32>, transpose_lhs_hint = false} : vector<1x26xf32>, vector<26x780xf32>, vector<1x780xf32> -> vector<1x780xf32>
    %transpose3A_46 = tpu.transpose %convert_element_type3A_30, [1, 0] : vector<780x26xf32> -> vector<26x780xf32>
    %dot_general3A_47 = arith.constant dense<0.000000e+00> : vector<1x780xf32>
    %dot_general3A_48 = tpu.matmul %rsqrt3A, %transpose3A_46, %dot_general3A_47 {dimension_numbers = #tpu.dot_dimension_numbers<[1], [0], [0], [1], [0, 0, 1, 1], [], []>, precision = #tpu.contract_precision<fp32>, transpose_lhs_hint = false} : vector<1x26xf32>, vector<26x780xf32>, vector<1x780xf32> -> vector<1x780xf32>
    %get3A_49 = arith.constant 0 : index
    %get3A_50 = arith.constant 0 : index
    %get3A_51 = vector.load %arg1[%get3A_49, %get3A_50] : memref<1x130xf32, #tpu.memory_space<vmem>>, vector<1x130xf32>
    %exp3A = math.exp %get3A_51 : vector<1x130xf32>
    %iota3A_52 = tpu.iota {dimensions = array<i32: 0>} : vector<130x26xi32>
    %iota3A_53 = tpu.iota {dimensions = array<i32: 1>} : vector<130x26xi32>
    %jit3A_54 = arith.constant 5 : i32
    %div3A_55 = vector.broadcast %jit3A_54 : i32 to vector<130x26xi32>
    %div3A_56 = arith.divsi %iota3A_52, %div3A_55 : vector<130x26xi32>
    %sign3A_57 = arith.constant 0 : i32
    %sign3A_58 = vector.broadcast %sign3A_57 : i32 to vector<130x26xi32>
    %sign3A_59 = arith.cmpi sgt, %iota3A_52, %sign3A_58 : vector<130x26xi32>
    %sign3A_60 = arith.extui %sign3A_59 : vector<130x26xi1> to vector<130x26xi32>
    %sign3A_61 = arith.constant 0 : i32
    %sign3A_62 = vector.broadcast %sign3A_61 : i32 to vector<130x26xi32>
    %sign3A_63 = arith.cmpi slt, %iota3A_52, %sign3A_62 : vector<130x26xi32>
    %sign3A_64 = arith.extui %sign3A_63 : vector<130x26xi1> to vector<130x26xi32>
    %sign3A_65 = arith.subi %sign3A_60, %sign3A_64 : vector<130x26xi32>
    %sign3A_66 = arith.constant 0 : i32
    %sign3A_67 = arith.cmpi sgt, %jit3A_54, %sign3A_66 : i32
    %sign3A_68 = arith.extui %sign3A_67 : i1 to i32
    %sign3A_69 = arith.constant 0 : i32
    %sign3A_70 = arith.cmpi slt, %jit3A_54, %sign3A_69 : i32
    %sign3A_71 = arith.extui %sign3A_70 : i1 to i32
    %sign3A_72 = arith.subi %sign3A_68, %sign3A_71 : i32
    %ne3A_73 = vector.broadcast %sign3A_72 : i32 to vector<130x26xi32>
    %ne3A_74 = arith.cmpi ne, %sign3A_65, %ne3A_73 : vector<130x26xi32>
    %rem3A_75 = vector.broadcast %jit3A_54 : i32 to vector<130x26xi32>
    %rem3A_76 = arith.remsi %iota3A_52, %rem3A_75 : vector<130x26xi32>
    %ne3A_77 = arith.constant 0 : i32
    %ne3A_78 = vector.broadcast %ne3A_77 : i32 to vector<130x26xi32>
    %ne3A_79 = arith.cmpi ne, %rem3A_76, %ne3A_78 : vector<130x26xi32>
    %and3A_80 = arith.andi %ne3A_74, %ne3A_79 : vector<130x26xi1>
    %sub3A_81 = arith.constant 1 : i32
    %sub3A_82 = vector.broadcast %sub3A_81 : i32 to vector<130x26xi32>
    %sub3A_83 = arith.subi %div3A_56, %sub3A_82 : vector<130x26xi32>
    %select_n3A_84 = arith.select %and3A_80, %sub3A_83, %div3A_56 : vector<130x26xi1>, vector<130x26xi32>
    %eq3A_85 = arith.cmpi eq, %select_n3A_84, %iota3A_53 : vector<130x26xi32>
    %convert_element_type3A_86 = arith.extui %eq3A_85 : vector<130x26xi1> to vector<130x26xi32>
    %convert_element_type3A_87 = arith.sitofp %convert_element_type3A_86 : vector<130x26xi32> to vector<130x26xf32>
    %dot_general3A_88 = arith.constant dense<0.000000e+00> : vector<1x26xf32>
    %dot_general3A_89 = tpu.matmul %exp3A, %convert_element_type3A_87, %dot_general3A_88 {dimension_numbers = #tpu.dot_dimension_numbers<[1], [0], [0], [1], [0, 0, 1, 1], [], []>, precision = #tpu.contract_precision<fp32>, transpose_lhs_hint = false} : vector<1x130xf32>, vector<130x26xf32>, vector<1x26xf32> -> vector<1x26xf32>
    %transpose3A_90 = tpu.transpose %convert_element_type3A_87, [1, 0] : vector<130x26xf32> -> vector<26x130xf32>
    %dot_general3A_91 = arith.constant dense<0.000000e+00> : vector<1x130xf32>
    %dot_general3A_92 = tpu.matmul %dot_general3A_89, %transpose3A_90, %dot_general3A_91 {dimension_numbers = #tpu.dot_dimension_numbers<[1], [0], [0], [1], [0, 0, 1, 1], [], []>, precision = #tpu.contract_precision<fp32>, transpose_lhs_hint = false} : vector<1x26xf32>, vector<26x130xf32>, vector<1x130xf32> -> vector<1x130xf32>
    %div3A_93 = arith.divf %exp3A, %dot_general3A_92 : vector<1x130xf32>
    %iota3A_94 = tpu.iota {dimensions = array<i32: 0>} : vector<130x780xi32>
    %iota3A_95 = tpu.iota {dimensions = array<i32: 1>} : vector<130x780xi32>
    %jit3A_96 = arith.constant 30 : i32
    %eq3A_97 = arith.constant 0 : i32
    %eq3A_98 = arith.cmpi eq, %jit3A_96, %eq3A_97 : i32
    %jit3A_99 = arith.constant 1 : i32
    %select_n3A_100 = arith.select %eq3A_98, %jit3A_99, %jit3A_96 : i32
    %rem3A_101 = vector.broadcast %select_n3A_100 : i32 to vector<130x780xi32>
    %rem3A_102 = arith.remsi %iota3A_95, %rem3A_101 : vector<130x780xi32>
    %ne3A_103 = arith.constant 0 : i32
    %ne3A_104 = vector.broadcast %ne3A_103 : i32 to vector<130x780xi32>
    %ne3A_105 = arith.cmpi ne, %rem3A_102, %ne3A_104 : vector<130x780xi32>
    %lt3A = arith.constant 0 : i32
    %lt3A_106 = vector.broadcast %lt3A : i32 to vector<130x780xi32>
    %lt3A_107 = arith.cmpi slt, %rem3A_102, %lt3A_106 : vector<130x780xi32>
    %lt3A_108 = arith.constant 0 : i32
    %lt3A_109 = arith.cmpi slt, %select_n3A_100, %lt3A_108 : i32
    %ne3A_110 = vector.broadcast %lt3A_109 : i1 to vector<130x780xi1>
    %ne3A_111 = vector.broadcast %ne3A_110 : vector<130x780xi1> to vector<130x780xi1>
    %ne3A_112 = arith.xori %lt3A_107, %ne3A_111 : vector<130x780xi1>
    %and3A_113 = arith.andi %ne3A_112, %ne3A_105 : vector<130x780xi1>
    %add3A_114 = vector.broadcast %select_n3A_100 : i32 to vector<130x780xi32>
    %add3A_115 = arith.addi %rem3A_102, %add3A_114 : vector<130x780xi32>
    %select_n3A_116 = arith.select %and3A_113, %add3A_115, %rem3A_102 : vector<130x780xi1>, vector<130x780xi32>
    %ge3A = arith.constant 2 : i32
    %ge3A_117 = vector.broadcast %ge3A : i32 to vector<130x780xi32>
    %ge3A_118 = arith.cmpi sge, %select_n3A_116, %ge3A_117 : vector<130x780xi32>
    %convert_element_type3A_119 = arith.extui %ge3A_118 : vector<130x780xi1> to vector<130x780xi32>
    %add3A_120 = arith.constant 1 : i32
    %add3A_121 = vector.broadcast %add3A_120 : i32 to vector<130x780xi32>
    %add3A_122 = arith.addi %add3A_121, %convert_element_type3A_119 : vector<130x780xi32>
    %ge3A_123 = arith.constant 6 : i32
    %ge3A_124 = vector.broadcast %ge3A_123 : i32 to vector<130x780xi32>
    %ge3A_125 = arith.cmpi sge, %select_n3A_116, %ge3A_124 : vector<130x780xi32>
    %convert_element_type3A_126 = arith.extui %ge3A_125 : vector<130x780xi1> to vector<130x780xi32>
    %add3A_127 = arith.addi %add3A_122, %convert_element_type3A_126 : vector<130x780xi32>
    %ge3A_128 = arith.constant 14 : i32
    %ge3A_129 = vector.broadcast %ge3A_128 : i32 to vector<130x780xi32>
    %ge3A_130 = arith.cmpi sge, %select_n3A_116, %ge3A_129 : vector<130x780xi32>
    %convert_element_type3A_131 = arith.extui %ge3A_130 : vector<130x780xi1> to vector<130x780xi32>
    %add3A_132 = arith.addi %add3A_127, %convert_element_type3A_131 : vector<130x780xi32>
    %jit3A_133 = arith.constant 5 : i32
    %div3A_134 = vector.broadcast %jit3A_133 : i32 to vector<130x780xi32>
    %div3A_135 = arith.divsi %iota3A_94, %div3A_134 : vector<130x780xi32>
    %sign3A_136 = arith.constant 0 : i32
    %sign3A_137 = vector.broadcast %sign3A_136 : i32 to vector<130x780xi32>
    %sign3A_138 = arith.cmpi sgt, %iota3A_94, %sign3A_137 : vector<130x780xi32>
    %sign3A_139 = arith.extui %sign3A_138 : vector<130x780xi1> to vector<130x780xi32>
    %sign3A_140 = arith.constant 0 : i32
    %sign3A_141 = vector.broadcast %sign3A_140 : i32 to vector<130x780xi32>
    %sign3A_142 = arith.cmpi slt, %iota3A_94, %sign3A_141 : vector<130x780xi32>
    %sign3A_143 = arith.extui %sign3A_142 : vector<130x780xi1> to vector<130x780xi32>
    %sign3A_144 = arith.subi %sign3A_139, %sign3A_143 : vector<130x780xi32>
    %sign3A_145 = arith.constant 0 : i32
    %sign3A_146 = arith.cmpi sgt, %jit3A_133, %sign3A_145 : i32
    %sign3A_147 = arith.extui %sign3A_146 : i1 to i32
    %sign3A_148 = arith.constant 0 : i32
    %sign3A_149 = arith.cmpi slt, %jit3A_133, %sign3A_148 : i32
    %sign3A_150 = arith.extui %sign3A_149 : i1 to i32
    %sign3A_151 = arith.subi %sign3A_147, %sign3A_150 : i32
    %ne3A_152 = vector.broadcast %sign3A_151 : i32 to vector<130x780xi32>
    %ne3A_153 = arith.cmpi ne, %sign3A_144, %ne3A_152 : vector<130x780xi32>
    %rem3A_154 = vector.broadcast %jit3A_133 : i32 to vector<130x780xi32>
    %rem3A_155 = arith.remsi %iota3A_94, %rem3A_154 : vector<130x780xi32>
    %ne3A_156 = arith.constant 0 : i32
    %ne3A_157 = vector.broadcast %ne3A_156 : i32 to vector<130x780xi32>
    %ne3A_158 = arith.cmpi ne, %rem3A_155, %ne3A_157 : vector<130x780xi32>
    %and3A_159 = arith.andi %ne3A_153, %ne3A_158 : vector<130x780xi1>
    %sub3A_160 = arith.constant 1 : i32
    %sub3A_161 = vector.broadcast %sub3A_160 : i32 to vector<130x780xi32>
    %sub3A_162 = arith.subi %div3A_135, %sub3A_161 : vector<130x780xi32>
    %select_n3A_163 = arith.select %and3A_159, %sub3A_162, %div3A_135 : vector<130x780xi1>, vector<130x780xi32>
    %jit3A_164 = arith.constant 30 : i32
    %div3A_165 = vector.broadcast %jit3A_164 : i32 to vector<130x780xi32>
    %div3A_166 = arith.divsi %iota3A_95, %div3A_165 : vector<130x780xi32>
    %sign3A_167 = arith.constant 0 : i32
    %sign3A_168 = vector.broadcast %sign3A_167 : i32 to vector<130x780xi32>
    %sign3A_169 = arith.cmpi sgt, %iota3A_95, %sign3A_168 : vector<130x780xi32>
    %sign3A_170 = arith.extui %sign3A_169 : vector<130x780xi1> to vector<130x780xi32>
    %sign3A_171 = arith.constant 0 : i32
    %sign3A_172 = vector.broadcast %sign3A_171 : i32 to vector<130x780xi32>
    %sign3A_173 = arith.cmpi slt, %iota3A_95, %sign3A_172 : vector<130x780xi32>
    %sign3A_174 = arith.extui %sign3A_173 : vector<130x780xi1> to vector<130x780xi32>
    %sign3A_175 = arith.subi %sign3A_170, %sign3A_174 : vector<130x780xi32>
    %sign3A_176 = arith.constant 0 : i32
    %sign3A_177 = arith.cmpi sgt, %jit3A_164, %sign3A_176 : i32
    %sign3A_178 = arith.extui %sign3A_177 : i1 to i32
    %sign3A_179 = arith.constant 0 : i32
    %sign3A_180 = arith.cmpi slt, %jit3A_164, %sign3A_179 : i32
    %sign3A_181 = arith.extui %sign3A_180 : i1 to i32
    %sign3A_182 = arith.subi %sign3A_178, %sign3A_181 : i32
    %ne3A_183 = vector.broadcast %sign3A_182 : i32 to vector<130x780xi32>
    %ne3A_184 = arith.cmpi ne, %sign3A_175, %ne3A_183 : vector<130x780xi32>
    %rem3A_185 = vector.broadcast %jit3A_164 : i32 to vector<130x780xi32>
    %rem3A_186 = arith.remsi %iota3A_95, %rem3A_185 : vector<130x780xi32>
    %ne3A_187 = arith.constant 0 : i32
    %ne3A_188 = vector.broadcast %ne3A_187 : i32 to vector<130x780xi32>
    %ne3A_189 = arith.cmpi ne, %rem3A_186, %ne3A_188 : vector<130x780xi32>
    %and3A_190 = arith.andi %ne3A_184, %ne3A_189 : vector<130x780xi1>
    %sub3A_191 = arith.constant 1 : i32
    %sub3A_192 = vector.broadcast %sub3A_191 : i32 to vector<130x780xi32>
    %sub3A_193 = arith.subi %div3A_166, %sub3A_192 : vector<130x780xi32>
    %select_n3A_194 = arith.select %and3A_190, %sub3A_193, %div3A_166 : vector<130x780xi1>, vector<130x780xi32>
    %eq3A_195 = arith.cmpi eq, %select_n3A_163, %select_n3A_194 : vector<130x780xi32>
    %jit3A_196 = arith.constant 5 : i32
    %eq3A_197 = arith.constant 0 : i32
    %eq3A_198 = arith.cmpi eq, %jit3A_196, %eq3A_197 : i32
    %jit3A_199 = arith.constant 1 : i32
    %select_n3A_200 = arith.select %eq3A_198, %jit3A_199, %jit3A_196 : i32
    %rem3A_201 = vector.broadcast %select_n3A_200 : i32 to vector<130x780xi32>
    %rem3A_202 = arith.remsi %iota3A_94, %rem3A_201 : vector<130x780xi32>
    %ne3A_203 = arith.constant 0 : i32
    %ne3A_204 = vector.broadcast %ne3A_203 : i32 to vector<130x780xi32>
    %ne3A_205 = arith.cmpi ne, %rem3A_202, %ne3A_204 : vector<130x780xi32>
    %lt3A_206 = arith.constant 0 : i32
    %lt3A_207 = vector.broadcast %lt3A_206 : i32 to vector<130x780xi32>
    %lt3A_208 = arith.cmpi slt, %rem3A_202, %lt3A_207 : vector<130x780xi32>
    %lt3A_209 = arith.constant 0 : i32
    %lt3A_210 = arith.cmpi slt, %select_n3A_200, %lt3A_209 : i32
    %ne3A_211 = vector.broadcast %lt3A_210 : i1 to vector<130x780xi1>
    %ne3A_212 = vector.broadcast %ne3A_211 : vector<130x780xi1> to vector<130x780xi1>
    %ne3A_213 = arith.xori %lt3A_208, %ne3A_212 : vector<130x780xi1>
    %and3A_214 = arith.andi %ne3A_213, %ne3A_205 : vector<130x780xi1>
    %add3A_215 = vector.broadcast %select_n3A_200 : i32 to vector<130x780xi32>
    %add3A_216 = arith.addi %rem3A_202, %add3A_215 : vector<130x780xi32>
    %select_n3A_217 = arith.select %and3A_214, %add3A_216, %rem3A_202 : vector<130x780xi1>, vector<130x780xi32>
    %eq3A_218 = arith.cmpi eq, %select_n3A_217, %add3A_132 : vector<130x780xi32>
    %and3A_219 = arith.andi %eq3A_195, %eq3A_218 : vector<130x780xi1>
    %convert_element_type3A_220 = arith.extui %and3A_219 : vector<130x780xi1> to vector<130x780xi32>
    %convert_element_type3A_221 = arith.sitofp %convert_element_type3A_220 : vector<130x780xi32> to vector<130x780xf32>
    %dot_general3A_222 = arith.constant dense<0.000000e+00> : vector<1x780xf32>
    %dot_general3A_223 = tpu.matmul %div3A_93, %convert_element_type3A_221, %dot_general3A_222 {dimension_numbers = #tpu.dot_dimension_numbers<[1], [0], [0], [1], [0, 0, 1, 1], [], []>, precision = #tpu.contract_precision<fp32>, transpose_lhs_hint = false} : vector<1x130xf32>, vector<130x780xf32>, vector<1x780xf32> -> vector<1x780xf32>
    %sub3A_224 = vector.broadcast %dot_general3A_45 : vector<1x780xf32> to vector<4096x780xf32>
    %sub3A_225 = arith.subf %get3A_1, %sub3A_224 : vector<4096x780xf32>
    %mul3A_226 = arith.mulf %dot_general3A_48, %dot_general3A_223 : vector<1x780xf32>
    %mul3A_227 = vector.broadcast %mul3A_226 : vector<1x780xf32> to vector<4096x780xf32>
    %mul3A_228 = arith.mulf %sub3A_225, %mul3A_227 : vector<4096x780xf32>
    %swap3A = arith.constant 0 : index
    %swap3A_229 = arith.constant 0 : index
    %swap3A_230 = vector.load %arg2[%swap3A, %swap3A_229] : memref<4096x780xf32, #tpu.memory_space<vmem>>, vector<4096x780xf32>
    tpu.vector_store %arg2[%swap3A, %swap3A_229], %mul3A_228 {strides = array<i32>} : memref<4096x780xf32, #tpu.memory_space<vmem>>, vector<4096x780xf32>,
    return
  }
}

</mosaic_0001>

<sc_bundles>
// kernel: kernel.5.cloned.1.call-start
scs
__scs_entry_jumppad:
0x0: {  	(pc) =	sbr.rel $0x88, $3  }
0x1: {  	(tag) =	ssettag $0x0;
	lr =	simm.s32 $0x1  }
0x2: {  	[smem:$0x3F9E] =	sst lr;
	_ =	strace $0xD0000000  }
0x3: {  	_ = 	snop  }
0x4: {  	_ = 	snop  }
0x5: {  	_ = 	snop  }
0x6: {  	_ = 	snop  }
0x7: {  	_ = 	snop  }
__scs_overlays_trampoline_lowered:
0x8: {  	[smem:$0x3FAD] =	sst s0  }
0x9: {  	[smem:$0x3FAE] =	sst s1  }
0xa: {  	[smem:$0x3FAF] =	sst s2  }
0xb: {  	[smem:$0x3FB0] =	sst s3  }
0xc: {  	[smem:$0x3FB1] =	sst s4  }
0xd: {  	[smem:$0x3FB2] =	sst s5  }
0xe: {  	[smem:$0x3FB3] =	sst s6  }
0xf: {  	[smem:$0x3FB4] =	sst s7  }
0x10: {  	[smem:$0x3FB5] =	sst s8  }
0x11: {  	[smem:$0x3FB6] =	sst s9;
	s0 =	simm.s32 @!p0 $0x0  }
0x12: {  	s1 =	sld [smem:$0x3F9C];
	s0 =	simm.s32 @p0 $0x1  }
0x13: {  	[smem:$0x3FB7] =	sst s0;
	s0 =	simm.s32 @!p1 $0x0  }
0x14: {  	s2 =	sld [smem:$0x3F9B];
	s0 =	simm.s32 @p1 $0x1  }
0x15: {  	[smem:$0x3FB8] =	sst s0;
	s0 =	simm.s32 @!p2 $0x0  }
0x16: {  	s3 =	sld [smem:$0x3FDB];
	s0 =	simm.s32 @p2 $0x1  }
0x17: {  	s4 =	simm.s32 $0x1BF5;
	[smem:$0x3FBA] =	sst s0  }
0x18: {  	s0 =	sld [smem:$0x3F9D];
	_ =	swait.ge [sflag:s4], $0x0  }
0x19: {  	s7 =	sld [smem:$0x3F9E]  }
0x1a: {  	s8 =	sadd.s32 $0xFFFFE003, lr  }
0x1b: {  	s9 =	sadd.s32 $0xFFFFFEF7, lr;
	s5 =	simm.s32 $0xFFFFFFFF;
	p2 =	slt.u32 s8, $0xFFFFF086  }
0x1c: {  	p1 =	slt.u32 s9, $0xF7A;
	s5 =	simm.s32 @!p2 $0x0  }
0x1d: {  	s5 =	simm.s32 @p1 $0x1;
	p0 =	seq.s32 s7, s2  }
0x1e: {  	s7 =	smul.u32 @!p0 $0xF7A, s2;
	p2 =	seq.s32 @!p0 s5, $0x0  }
0x1f: {  	s9 =	smul.u32 $0xF7A, s1;
	s8 =	simm.s32 @!p0 $0x1BF5;
	p2 =	por !p2, p0  }
0x20: {  	[sflag:s8] =	ssyncset.s32 @!p0 $0xFFFFF086;
	s6 =	sadd.s32 @!p0 s3, s7;
	s7 =	simm.s32 @!p0 $0x108  }
0x21: {  	s3 =	sadd.s32 s3, s9;
	s6 =	sadd.s32 @!p0 $0x88, s6;
	s7 =	simm.s32 @p2 $0x1082  }
0x22: {  	[simem:s7], [sflag:s8] =	dma.local @!p0 [hbm:s6], $0xF7A  }
0x23: {  	s9 =	sor.u32 $0xD0000000, s2;
	s6 =	simm.s32 $0x108;
	_ =	swait.ge @!p0 [sflag:s8], $0x0  }
0x24: {  	s3 =	sadd.s32 $0x88, s3;
	s6 =	simm.s32 @!p1 $0x1082;
	[sflag:s4] =	ssyncset.s32 $0xFFFFF086  }
0x25: {  	[simem:s6], [sflag:s4] =	dma.local [hbm:s3], $0xF7A  }
0x26: {  	[smem:$0x3F9E] =	sst s1;
	(tag) =	ssettag s2;
	_ =	strace s9  }
0x27: {  	s1 =	sld [smem:$0x3FAE]  }
0x28: {  	s2 =	sld [smem:$0x3FAF]  }
0x29: {  	s4 =	sld [smem:$0x3FB1]  }
0x2a: {  	p0 =	seq.s32 s5, $0x0;
	s5 =	sld [smem:$0x3FB2]  }
0x2b: {  	s6 =	sld [smem:$0x3FB3]  }
0x2c: {  	s7 =	sld [smem:$0x3FB4]  }
0x2d: {  	s3 =	simm.s32 $0x108;
	s8 =	sld [smem:$0x3FB5]  }
0x2e: {  	s3 =	simm.s32 @!p0 $0x1082;
	s9 =	sld [smem:$0x3FB6]  }
0x2f: {  	lr =	sadd.s32 s0, s3;
	s0 =	sld [smem:$0x3FAD]  }
0x30: {  	s3 =	sld [smem:$0x3FB0]  }
0x31: {  	[smem:$0x3FB9] =	sst s10  }
0x32: {  	s10 =	sld [smem:$0x3FB7];
	_ =	sdelay $0x3  }
0x33: {  	p0 =	seq.s32 s10, $0x1;
	s10 =	sld [smem:$0x3FB9];
	_ =	sdelay $0x3  }
0x34: {  	[smem:$0x3FB9] =	sst s10  }
0x35: {  	s10 =	sld [smem:$0x3FB8];
	_ =	sdelay $0x3  }
0x36: {  	p1 =	seq.s32 s10, $0x1;
	s10 =	sld [smem:$0x3FB9];
	_ =	sdelay $0x3  }
0x37: {  	[smem:$0x3FB9] =	sst s10  }
0x38: {  	s10 =	sld [smem:$0x3FBA]  }
0x39: {  	_ = 	snop;
	(pc) =	sbr.ind lr, $3  }
0x3a: {  	_ = 	snop  }
0x3b: {  	_ = 	snop  }
0x3c: {  	p2 =	seq.s32 s10, $0x1;
	s10 =	sld [smem:$0x3FB9]  }
0x3d: {  	_ =	shalt  }
0x3e: {  	_ =	shalt  }
0x3f: {  	_ =	shalt  }
0x40: {  	_ =	shalt  }
0x41: {  	_ =	shalt  }
0x42: {  	_ =	shalt  }
0x43: {  	_ =	shalt  }
0x44: {  	_ =	shalt  }
0x45: {  	_ =	shalt  }
0x46: {  	_ =	shalt  }
0x47: {  	_ =	shalt  }
0x48: {  	_ =	shalt  }
0x49: {  	_ =	shalt  }
0x4a: {  	_ =	shalt  }
0x4b: {  	_ =	shalt  }
0x4c: {  	_ =	shalt  }
0x4d: {  	_ =	shalt  }
0x4e: {  	_ =	shalt  }
0x4f: {  	_ =	shalt  }
0x50: {  	_ =	shalt  }
0x51: {  	_ =	shalt  }
0x52: {  	_ =	shalt  }
0x53: {  	_ =	shalt  }
0x54: {  	_ =	shalt  }
0x55: {  	_ =	shalt  }
0x56: {  	_ =	shalt  }
0x57: {  	_ =	shalt  }
0x58: {  	_ =	shalt  }
0x59: {  	_ =	shalt  }
0x5a: {  	_ =	shalt  }
0x5b: {  	_ =	shalt  }
0x5c: {  	_ =	shalt  }
0x5d: {  	_ =	shalt  }
0x5e: {  	_ =	shalt  }
0x5f: {  	_ =	shalt  }
0x60: {  	_ =	shalt  }
0x61: {  	_ =	shalt  }
0x62: {  	_ =	shalt  }
0x63: {  	_ =	shalt  }
0x64: {  	_ =	shalt  }
0x65: {  	_ =	shalt  }
0x66: {  	_ =	shalt  }
0x67: {  	_ =	shalt  }
0x68: {  	_ =	shalt  }
0x69: {  	_ =	shalt  }
0x6a: {  	_ =	shalt  }
0x6b: {  	_ =	shalt  }
0x6c: {  	_ =	shalt  }
0x6d: {  	_ =	shalt  }
0x6e: {  	_ =	shalt  }
0x6f: {  	_ =	shalt  }
0x70: {  	_ =	shalt  }
0x71: {  	_ =	shalt  }
0x72: {  	_ =	shalt  }
0x73: {  	_ =	shalt  }
0x74: {  	_ =	shalt  }
0x75: {  	_ =	shalt  }
0x76: {  	_ =	shalt  }
0x77: {  	_ =	shalt  }
0x78: {  	_ =	shalt  }
0x79: {  	_ =	shalt  }
0x7a: {  	_ =	shalt  }
0x7b: {  	_ =	shalt  }
0x7c: {  	_ =	shalt  }
0x7d: {  	_ =	shalt  }
0x7e: {  	_ =	shalt  }
0x7f: {  	_ =	shalt  }
0x80: {  	_ =	shalt  }
0x81: {  	_ =	shalt  }
0x82: {  	_ =	shalt  }
0x83: {  	_ =	shalt  }
0x84: {  	_ =	shalt  }
0x85: {  	_ =	shalt  }
0x86: {  	_ =	shalt  }
0x87: {  	_ =	shalt  }
.Lfunc_end0:
.L_simem_size_0:
called_computation_lowered:
.L_overlay_start_0:
0x88: {  	s2 =	sld [smem:$0x3FD9]  }
0x89: {  	s3 =	sld [smem:$0x3FFE];
	_ =	sdelay $0x1  }
0x8a: {  	s1 =	srdreg.scid  }
0x8b: {  	s0 =	sand.u32 $0x1, s1  }
0x8c: {  	s17 =	sshll.u32 s0, $0xA;
	s2 =	sadd.s32 s3, s2  }
0x8d: {  	s2 =	sadd.s32 s2, s17  }
0x8e: {  	[smem:$0x3FC5] =	sst s2  }
0x8f: {  	_ = 	snop  }
0x90: {  	s2 =	sld [smem:$0x3FD0];
	(tm) =	ssettm $0x1  }
0x91: {  	s18 =	sld [smem:$0x3FFB];
	_ =	sdelay $0x3  }
0x92: {  	_ =	strace s18  }
0x93: {  	s3 =	sld [smem:$0x3FFC];
	_ =	sdelay $0x3  }
0x94: {  	_ =	strace s3  }
0x95: {  	s3 =	sld [smem:$0x3FFD];
	_ =	sdelay $0x3  }
0x96: {  	_ =	strace s3  }
0x97: {  	_ =	strace $0x8FFFFFFF  }
0x98: {  	s19 =	sld [smem:$0x3FDB];
	_ =	sdelay $0x1  }
0x99: {  	s4 =	simm.s32 $_scs_section_size  }
0x9a: {  	s5 =	simm.s32 $_size__tile_overlayer_lowered;
	s6 =	simm.s32 $_tile_overlayer_lowered  }
0x9b: {  	s22 =	simm.s32 $0x1BFF;
	s21 =	sshll.u32 s6, $0x1;
	s3 =	sadd.s32 s4, s19  }
0x9c: {  	s7 =	simm.s32 $0x0;
	s20 =	sshll.u32 s5, $0x1;
	s5 =	sadd.s32 s21, s3  }
0x9d: {  	[timem:s7], [sflag:s22] =	dma.local [hbm:s5], s20  }
0x9e: {  	_ =	swait.ge [sflag:s22], s20  }
0x9f: {  	s4 =	ssub.s32 $0x0, s20;
	[sflag:s22] =	ssyncset.done $0x0  }
0xa0: {  	[sflag:s22] =	ssyncadd.s32 s4;
	_ =	sdelay $0x1  }
0xa1: {  	s23 =	simm.s32 $0x1B8B  }
0xa2: {  	_ =	swait.ge [sflag:s23], $0x1  }
0xa3: {  	[sflag:s23] =	ssyncset.done $0x0  }
0xa4: {  	s25 =	simm.s32 $0x1B8E;
	s24 =	sld [smem:$0x3FFE];
	[sflag:s23] =	ssyncadd.s32 $0xFFFFFFFF  }
0xa5: {  	s26 =	simm.s32 $execute0_lowered;
	[smem:$0x3FD2] =	sst s25  }
0xa6: {  	s5 =	sshll.u32 s26, $0x1;
	_ =	strace $0x80000046;
	[dreg:$0x1] =	wrdreg $0xFFFFFFFF  }
0xa7: {  	s28 =	simm.s32 $_size_execute0_lowered;
	s3 =	sadd.s32 s3, s5;
	[dreg:$0x0] =	wrdreg $0x0  }
0xa8: {  	s5 =	sshll.u32 s28, $0x1;
	[dreg:$0x2] =	wrdreg s3  }
0xa9: {  	[dreg:$0x3] =	wrdreg s5  }
0xaa: {  	[dreg:$0x4] =	wrdreg $0xC0  }
0xab: {  	_ =	task [dreg:s7], $0x5FFFF  }
0xac: {  	[dreg:$0x1] =	wrdreg $0xFFFFFFFF  }
0xad: {  	[dreg:$0x0] =	wrdreg $0x60  }
0xae: {  	[dreg:$0x2] =	wrdreg s24  }
0xaf: {  	[dreg:$0x3] =	wrdreg s2  }
0xb0: {  	[dreg:$0x4] =	wrdreg $0x9  }
0xb1: {  	_ =	task.clear_ibuf [dreg:s7], $0x5FFFF;
	_ =	strace $0x90000046  }
0xb2: {  	s29 =	simm.s32 $0x9;
	_ =	strace $0x80000048  }
0xb3: {  	_ =	swait.ge [sflag:s29], $0x1  }
0xb4: {  	[sflag:s29] =	ssyncadd.s32 $0xFFFFFFFF  }
0xb5: {  	_ =	strace $0x90000048  }
0xb6: {  	_ =	sfence  }
0xb7: {  	s30 =	sld [smem:$0x0];
	_ =	sdelay $0x2  }
0xb8: {  	s31 =	sshll.u32 s1, $0xD;
	s1 =	sshrl.u32 s1, $0x2  }
0xb9: {  	s3 =	sand.u32 $0x4000, s31;
	s1 =	sadd.s32 s1, s30  }
0xba: {  	s0 =	sor.u32 s3, s0;
	s1 =	sshll.u32 s1, $0x11  }
0xbb: {  	s0 =	sor.u32 s1, s0  }
0xbc: {  	s0 =	sadd.s32 $0x8F2B, s0  }
0xbd: {  	[sflag:s0] =	ssyncadd.remote.s32 $0x1  }
0xbe: {  	_ =	sfence.sel $0xFFFF  }
0xbf: {  	[dreg:$0x0] =	wrdreg $0xFFFFFFFF;
	(pc) =	sbr.abs _section_cstart, $3  }
0xc0: {  	[dreg:$0x1] =	wrdreg $0xFFFFFFFF  }
0xc1: {  	_ =	task.clear_ibuf [dreg:s7], $0x2FFFF;
	_ =	strace $0x9FFFFFFF  }
0xc2: {  	(tm) =	ssettm $0x7FFFFFFF  }
0xc3: {  	_ =	shalt  }
tec
execute0_lowered:
.L_overlay_start_1:
0x0: {  	(tag) =	ssettag $0x1  }
0x1: {  	s2 =	stileid.u32;
	s4 =	rddreg [dreg:$0x0]  }
0x2: {  	s3 =	rddreg [dreg:$0x1];
	s20 =	sshll.u32 s2, $0x1;
	s2 =	simm.s32 $0x0  }
0x3: {  	s21 =	simm.s32 $0x1D00;
	[smem:$0x7FF] =	sst s2  }
0x4: {  	s22 =	simm.s32 $0x100;
	_ =	strace $0x80000047;
	[dreg:$0x5] =	wrdreg s21  }
0x5: {  	s23 =	simm.s32 $0x2D00;
	[dreg:$0x6] =	wrdreg s22  }
0x6: {  	s24 =	simm.s32 $0x180;
	[dreg:$0x7] =	wrdreg s23  }
0x7: {  	s25 =	simm.s32 $0x3D00;
	[dreg:$0x8] =	wrdreg s24  }
0x8: {  	s26 =	simm.s32 $0x200;
	[dreg:$0x9] =	wrdreg s25  }
0x9: {  	s6 =	simm.s32 $0x5D00;
	[dreg:$0xa] =	wrdreg s26  }
0xa: {  	s7 =	simm.s32 $0x300;
	[dreg:$0xd] =	wrdreg s6  }
0xb: {  	s8 =	simm.s32 $0x6D00;
	[dreg:$0xe] =	wrdreg s7  }
0xc: {  	s9 =	simm.s32 $0x380;
	[dreg:$0xf] =	wrdreg s8  }
0xd: {  	s10 =	simm.s32 $0x7D00;
	[dreg:$0x10] =	wrdreg s9  }
0xe: {  	s11 =	simm.s32 $0x400;
	[dreg:$0x11] =	wrdreg s10  }
0xf: {  	s12 =	simm.s32 $0x8D00;
	[dreg:$0x12] =	wrdreg s11  }
0x10: {  	s13 =	simm.s32 $0x480;
	[dreg:$0x13] =	wrdreg s12  }
0x11: {  	s14 =	simm.s32 $0x9D00;
	[dreg:$0x14] =	wrdreg s13  }
0x12: {  	s15 =	simm.s32 $0x500;
	[dreg:$0x15] =	wrdreg s14  }
0x13: {  	s16 =	simm.s32 $0xAD00;
	[dreg:$0x16] =	wrdreg s15  }
0x14: {  	s17 =	simm.s32 $0x580;
	[dreg:$0x17] =	wrdreg s16  }
0x15: {  	s0 =	srdreg.scid;
	s18 =	simm.s32 $0xBD00;
	[dreg:$0x18] =	wrdreg s17  }
0x16: {  	s19 =	simm.s32 $0x600;
	s1 =	sand.u32 $0x1, s0;
	[dreg:$0x19] =	wrdreg s18  }
0x17: {  	s0 =	sor.u32 s1, s20;
	s20 =	simm.s32 $0xCD00;
	[dreg:$0x1a] =	wrdreg s19  }
0x18: {  	s5 =	smul.u32 $0x1A0, s0;
	[dreg:$0x1b] =	wrdreg s20;
	s21 =	simm.s32 $0x680  }
0x19: {  	s0 =	smul.u32 $0x3400, s0;
	s22 =	simm.s32 $0xDD00;
	[dreg:$0x1c] =	wrdreg s21  }
0x1a: {  	s23 =	simm.s32 $0x700;
	[dreg:$0x1d] =	wrdreg s22  }
0x1b: {  	[dreg:$0x1e] =	wrdreg s23;
	s0 =	sadd.s32 s3, s0  }
0x1c: {  	s5 =	sadd.s32 s5, s4;
	s3 =	simm.s32 $0x4D00;
	[dreg:$0x4] =	wrdreg s0  }
0x1d: {  	s5 =	sadd.s32 $0xE00, s5;
	[dreg:$0xb] =	wrdreg s3  }
0x1e: {  	[dreg:$0x3] =	wrdreg s5;
	s5 =	simm.s32 $0x280  }
0x1f: {  	[dreg:$0xc] =	wrdreg s5  }
0x20: {  	s3 =	simm.s32 $0x2;
	s5 =	rddreg [dreg:$0x3]  }
0x21: {  	[tilespmem:s2], [sflag:$0x2] =	stream.linear.gather [hbm4b:s5+s2], $0xD00, $0x38;
	[tilespmem:$0x1AD00] =	vst v63  }
0x22: {  	_ =	swait.ge [sflag:s3], $0xD00  }
0x23: {  	s0 =	rddreg [dreg:$0x1d]  }
0x24: {  	s7 =	rddreg [dreg:$0x1b]  }
0x25: {  	s8 =	rddreg [dreg:$0x19]  }
0x26: {  	s9 =	rddreg [dreg:$0x17]  }
0x27: {  	s10 =	rddreg [dreg:$0x15]  }
0x28: {  	s11 =	rddreg [dreg:$0x13]  }
0x29: {  	s12 =	rddreg [dreg:$0x11]  }
0x2a: {  	s13 =	rddreg [dreg:$0xf]  }
0x2b: {  	s14 =	rddreg [dreg:$0xd]  }
0x2c: {  	s6 =	simm.s32 $0x80;
	s15 =	rddreg [dreg:$0xb]  }
0x2d: {  	s5 =	sadd.s32 $0xFBE00, s4;
	s16 =	rddreg [dreg:$0x6];
	[sflag:s3] =	ssyncset.done $0x0  }
0x2e: {  	s4 =	simm.s32 $0xD00;
	s17 =	rddreg [dreg:$0x5];
	[sflag:s3] =	ssyncadd.s32 $0xFFFFF300  }
0x2f: {  	[tilespmem:s4], [sflag:$0x1] =	stream.indirect.gather [hbm4b:s5+s6], $0x20, s2, s6, $0xb8;
	[tilespmem:$0x1AD00] =	vst v63  }
0x30: {  	s18 =	rddreg [dreg:$0x7]  }
0x31: {  	[tilespmem:s17], [sflag:$0x1] =	stream.indirect.gather [hbm4b:s5+s6], $0x20, s6, s6, $0xb8;
	[tilespmem:$0x1AD00] =	vst v63  }
0x32: {  	s19 =	rddreg [dreg:$0x9]  }
0x33: {  	[tilespmem:s18], [sflag:$0x1] =	stream.indirect.gather [hbm4b:s5+s6], $0x20, s16, s6, $0xb8;
	[tilespmem:$0x1AD00] =	vst v63  }
0x34: {  	s24 =	rddreg [dreg:$0x8]  }
0x35: {  	[tilespmem:s19], [sflag:$0x1] =	stream.indirect.gather [hbm4b:s5+s6], $0x20, s24, s6, $0xb8;
	[tilespmem:$0x1AD00] =	vst v63  }
0x36: {  	s25 =	rddreg [dreg:$0xa]  }
0x37: {  	[tilespmem:s15], [sflag:$0x1] =	stream.indirect.gather [hbm4b:s5+s6], $0x20, s25, s6, $0xb8;
	[tilespmem:$0x1AD00] =	vst v63  }
0x38: {  	s26 =	rddreg [dreg:$0xc]  }
0x39: {  	[tilespmem:s14], [sflag:$0x1] =	stream.indirect.gather [hbm4b:s5+s6], $0x20, s26, s6, $0xb8;
	[tilespmem:$0x1AD00] =	vst v63  }
0x3a: {  	s16 =	rddreg [dreg:$0xe]  }
0x3b: {  	[tilespmem:s13], [sflag:$0x1] =	stream.indirect.gather [hbm4b:s5+s6], $0x20, s16, s6, $0xb8;
	[tilespmem:$0x1AD00] =	vst v63  }
0x3c: {  	s18 =	rddreg [dreg:$0x10]  }
0x3d: {  	[tilespmem:s12], [sflag:$0x1] =	stream.indirect.gather [hbm4b:s5+s6], $0x20, s18, s6, $0xb8;
	[tilespmem:$0x1AD00] =	vst v63  }
0x3e: {  	s19 =	rddreg [dreg:$0x12]  }
0x3f: {  	[tilespmem:s11], [sflag:$0x1] =	stream.indirect.gather [hbm4b:s5+s6], $0x20, s19, s6, $0xb8;
	[tilespmem:$0x1AD00] =	vst v63  }
0x40: {  	s20 =	rddreg [dreg:$0x14]  }
0x41: {  	[tilespmem:s10], [sflag:$0x1] =	stream.indirect.gather [hbm4b:s5+s6], $0x20, s20, s6, $0xb8;
	[tilespmem:$0x1AD00] =	vst v63  }
0x42: {  	s21 =	rddreg [dreg:$0x16]  }
0x43: {  	[tilespmem:s9], [sflag:$0x1] =	stream.indirect.gather [hbm4b:s5+s6], $0x20, s21, s6, $0xb8;
	[tilespmem:$0x1AD00] =	vst v63  }
0x44: {  	s22 =	rddreg [dreg:$0x18]  }
0x45: {  	[tilespmem:s8], [sflag:$0x1] =	stream.indirect.gather [hbm4b:s5+s6], $0x20, s22, s6, $0xb8;
	[tilespmem:$0x1AD00] =	vst v63  }
0x46: {  	s23 =	rddreg [dreg:$0x1a]  }
0x47: {  	[tilespmem:s7], [sflag:$0x1] =	stream.indirect.gather [hbm4b:s5+s6], $0x20, s23, s6, $0xb8;
	[tilespmem:$0x1AD00] =	vst v63  }
0x48: {  	s24 =	rddreg [dreg:$0x1c]  }
0x49: {  	[tilespmem:s0], [sflag:$0x1] =	stream.indirect.gather [hbm4b:s5+s6], $0x20, s24, s6, $0xb8;
	[tilespmem:$0x1AD00] =	vst v63  }
0x4a: {  	s25 =	rddreg [dreg:$0x1e];
	s26 =	simm.s32 $0xED00  }
0x4b: {  	[tilespmem:s26], [sflag:$0x1] =	stream.indirect.gather [hbm4b:s5+s6], $0x20, s25, s6, $0xb8;
	[tilespmem:$0x1AD00] =	vst v63  }
0x4c: {  	s8 =	simm.s32 $0xFD00;
	s7 =	simm.s32 $0x780  }
0x4d: {  	[tilespmem:s8], [sflag:$0x1] =	stream.indirect.gather [hbm4b:s5+s6], $0x20, s7, s6, $0xb8;
	[tilespmem:$0x1AD00] =	vst v63  }
0x4e: {  	s10 =	simm.s32 $0x10D00;
	s9 =	simm.s32 $0x800  }
0x4f: {  	[tilespmem:s10], [sflag:$0x1] =	stream.indirect.gather [hbm4b:s5+s6], $0x20, s9, s6, $0xb8;
	[tilespmem:$0x1AD00] =	vst v63  }
0x50: {  	s12 =	simm.s32 $0x11D00;
	s11 =	simm.s32 $0x880  }
0x51: {  	[tilespmem:s12], [sflag:$0x1] =	stream.indirect.gather [hbm4b:s5+s6], $0x20, s11, s6, $0xb8;
	[tilespmem:$0x1AD00] =	vst v63  }
0x52: {  	s14 =	simm.s32 $0x12D00;
	s13 =	simm.s32 $0x900  }
0x53: {  	[tilespmem:s14], [sflag:$0x1] =	stream.indirect.gather [hbm4b:s5+s6], $0x20, s13, s6, $0xb8;
	[tilespmem:$0x1AD00] =	vst v63  }
0x54: {  	s15 =	simm.s32 $0x980;
	s16 =	simm.s32 $0x13D00  }
0x55: {  	[tilespmem:s16], [sflag:$0x1] =	stream.indirect.gather [hbm4b:s5+s6], $0x20, s15, s6, $0xb8;
	[tilespmem:$0x1AD00] =	vst v63  }
0x56: {  	s17 =	simm.s32 $0xA00;
	s18 =	simm.s32 $0x14D00  }
0x57: {  	[tilespmem:s18], [sflag:$0x1] =	stream.indirect.gather [hbm4b:s5+s6], $0x20, s17, s6, $0xb8;
	[tilespmem:$0x1AD00] =	vst v63  }
0x58: {  	s20 =	simm.s32 $0xA80;
	s21 =	simm.s32 $0x15D00  }
0x59: {  	[tilespmem:s21], [sflag:$0x1] =	stream.indirect.gather [hbm4b:s5+s6], $0x20, s20, s6, $0xb8;
	[tilespmem:$0x1AD00] =	vst v63  }
0x5a: {  	s22 =	simm.s32 $0xB00;
	s23 =	simm.s32 $0x16D00  }
0x5b: {  	[tilespmem:s23], [sflag:$0x1] =	stream.indirect.gather [hbm4b:s5+s6], $0x20, s22, s6, $0xb8;
	[tilespmem:$0x1AD00] =	vst v63  }
0x5c: {  	s25 =	simm.s32 $0xB80;
	s26 =	simm.s32 $0x17D00  }
0x5d: {  	[tilespmem:s26], [sflag:$0x1] =	stream.indirect.gather [hbm4b:s5+s6], $0x20, s25, s6, $0xb8;
	[tilespmem:$0x1AD00] =	vst v63  }
0x5e: {  	s28 =	simm.s32 $0xC00;
	s29 =	simm.s32 $0x18D00  }
0x5f: {  	[tilespmem:s29], [sflag:$0x1] =	stream.indirect.gather [hbm4b:s5+s6], $0x20, s28, s6, $0xb8;
	[tilespmem:$0x1AD00] =	vst v63  }
0x60: {  	s30 =	simm.s32 $0xC80;
	s31 =	simm.s32 $0x19D00;
	s24 =	simm.s32 $0x1  }
0x61: {  	[tilespmem:s31], [sflag:$0x1] =	stream.indirect.gather [hbm4b:s5+s6], $0x20, s30, s6, $0xb8;
	[tilespmem:$0x1AD00] =	vst v63  }
0x62: {  	_ =	swait.ge [sflag:s24], $0x1000  }
0x63: {  	[sflag:s24] =	ssyncset.done $0x0  }
0x64: {  	[sflag:s24] =	ssyncadd.s32 $0xFFFFF000  }
0x65: {  	_ =	swait.ge [sflag:s24], $0x1000  }
0x66: {  	[sflag:s24] =	ssyncset.done $0x0  }
0x67: {  	[sflag:s24] =	ssyncadd.s32 $0xFFFFF000  }
0x68: {  	_ =	swait.ge [sflag:s24], $0x1000  }
0x69: {  	[sflag:s24] =	ssyncset.done $0x0  }
0x6a: {  	[sflag:s24] =	ssyncadd.s32 $0xFFFFF000  }
0x6b: {  	_ =	swait.ge [sflag:s24], $0x1000  }
0x6c: {  	[sflag:s24] =	ssyncset.done $0x0  }
0x6d: {  	[sflag:s24] =	ssyncadd.s32 $0xFFFFF000  }
0x6e: {  	_ =	swait.ge [sflag:s24], $0x1000  }
0x6f: {  	[sflag:s24] =	ssyncset.done $0x0  }
0x70: {  	[sflag:s24] =	ssyncadd.s32 $0xFFFFF000  }
0x71: {  	_ =	swait.ge [sflag:s24], $0x1000  }
0x72: {  	[sflag:s24] =	ssyncset.done $0x0  }
0x73: {  	[sflag:s24] =	ssyncadd.s32 $0xFFFFF000  }
0x74: {  	_ =	swait.ge [sflag:s24], $0x1000  }
0x75: {  	[sflag:s24] =	ssyncset.done $0x0  }
0x76: {  	[sflag:s24] =	ssyncadd.s32 $0xFFFFF000  }
0x77: {  	_ =	swait.ge [sflag:s24], $0x1000  }
0x78: {  	[sflag:s24] =	ssyncset.done $0x0  }
0x79: {  	[sflag:s24] =	ssyncadd.s32 $0xFFFFF000  }
0x7a: {  	_ =	swait.ge [sflag:s24], $0x1000  }
0x7b: {  	[sflag:s24] =	ssyncset.done $0x0  }
0x7c: {  	[sflag:s24] =	ssyncadd.s32 $0xFFFFF000  }
0x7d: {  	_ =	swait.ge [sflag:s24], $0x1000  }
0x7e: {  	[sflag:s24] =	ssyncset.done $0x0  }
0x7f: {  	[sflag:s24] =	ssyncadd.s32 $0xFFFFF000  }
0x80: {  	_ =	swait.ge [sflag:s24], $0x1000  }
0x81: {  	[sflag:s24] =	ssyncset.done $0x0  }
0x82: {  	[sflag:s24] =	ssyncadd.s32 $0xFFFFF000  }
0x83: {  	_ =	swait.ge [sflag:s24], $0x1000  }
0x84: {  	[sflag:s24] =	ssyncset.done $0x0  }
0x85: {  	[sflag:s24] =	ssyncadd.s32 $0xFFFFF000  }
0x86: {  	_ =	swait.ge [sflag:s24], $0x1000  }
0x87: {  	[sflag:s24] =	ssyncset.done $0x0  }
0x88: {  	[sflag:s24] =	ssyncadd.s32 $0xFFFFF000  }
0x89: {  	_ =	swait.ge [sflag:s24], $0x1000  }
0x8a: {  	[sflag:s24] =	ssyncset.done $0x0  }
0x8b: {  	[sflag:s24] =	ssyncadd.s32 $0xFFFFF000  }
0x8c: {  	_ =	swait.ge [sflag:s24], $0x1000  }
0x8d: {  	[sflag:s24] =	ssyncset.done $0x0  }
0x8e: {  	[sflag:s24] =	ssyncadd.s32 $0xFFFFF000  }
0x8f: {  	_ =	swait.ge [sflag:s24], $0x1000  }
0x90: {  	[sflag:s24] =	ssyncset.done $0x0  }
0x91: {  	[sflag:s24] =	ssyncadd.s32 $0xFFFFF000  }
0x92: {  	_ =	swait.ge [sflag:s24], $0x1000  }
0x93: {  	[sflag:s24] =	ssyncset.done $0x0  }
0x94: {  	[sflag:s24] =	ssyncadd.s32 $0xFFFFF000  }
0x95: {  	_ =	swait.ge [sflag:s24], $0x1000  }
0x96: {  	[sflag:s24] =	ssyncset.done $0x0  }
0x97: {  	[sflag:s24] =	ssyncadd.s32 $0xFFFFF000  }
0x98: {  	_ =	swait.ge [sflag:s24], $0x1000  }
0x99: {  	[sflag:s24] =	ssyncset.done $0x0  }
0x9a: {  	[sflag:s24] =	ssyncadd.s32 $0xFFFFF000  }
0x9b: {  	_ =	swait.ge [sflag:s24], $0x1000  }
0x9c: {  	[sflag:s24] =	ssyncset.done $0x0  }
0x9d: {  	[sflag:s24] =	ssyncadd.s32 $0xFFFFF000  }
0x9e: {  	s19 =	ssub.s32 $0x2, s1;
	_ =	swait.ge [sflag:s24], $0x1000  }
0x9f: {  	s1 =	sshrl.u32 s19, $0x1;
	[sflag:s24] =	ssyncset.done $0x0  }
0xa0: {  	s0 =	ssub.s32 s19, s1;
	[sflag:s24] =	ssyncadd.s32 $0xFFFFF000  }
0xa1: {  	s0 =	smax.u32 s0, $0x1;
	_ =	swait.ge [sflag:s24], $0x1000  }
0xa2: {  	p0 =	sne.s32 s0, $0x1;
	[sflag:s24] =	ssyncset.done $0x0  }
.Ltmp0:
0xa3: {  	[sflag:s24] =	ssyncadd.s32 $0xFFFFF000;
	(pc) =	sbr.rel @!p0 .LBB2_2-.Ltmp0, $4  }
0xa4: {  	_ =	swait.ge [sflag:s24], $0x1000  }
0xa5: {  	[sflag:s24] =	ssyncset.done $0x0  }
0xa6: {  	[sflag:s24] =	ssyncadd.s32 $0xFFFFF000  }
0xa7: {  	s1 =	sadd.s32 $0xFFFFFFFF, s0;
	_ =	swait.ge [sflag:s24], $0x1000  }
.LBB2_1:
0xa8: {  	[sflag:s24] =	ssyncset.done $0x0  }
0xa9: {  	[sflag:s24] =	ssyncadd.s32 $0xFFFFF000  }
0xaa: {  	_ =	swait.ge [sflag:s24], $0x1000  }
0xab: {  	[sflag:s24] =	ssyncset.done $0x0  }
0xac: {  	[sflag:s24] =	ssyncadd.s32 $0xFFFFF000  }
0xad: {  	_ =	swait.ge [sflag:s24], $0x1000  }
0xae: {  	[sflag:s24] =	ssyncset.done $0x0  }
0xaf: {  	s0 =	rddreg [dreg:$0x4];
	[sflag:s24] =	ssyncadd.s32 $0xFFFFF000  }
0xb0: {  	[hbm4b:s0+s2] =	stream.linear.scatter [tilespmem:s4], [sflag:$0x2], $0x1A000, $0x38;
	[tilespmem:$0x1AD00] =	vst v63  }
0xb1: {  	_ =	swait.ge [sflag:s3], $0x1A000  }
0xb2: {  	[sflag:s3] =	ssyncset.done $0x0  }
0xb3: {  	s17 =	rddreg [dreg:$0x3];
	[sflag:s3] =	ssyncadd.s32 $0xFFFE6000  }
0xb4: {  	[tilespmem:s2], [sflag:$0x2] =	stream.linear.gather [hbm4b:s17+s2], $0xD00, $0x38;
	[tilespmem:$0x1AD00] =	vst v63  }
0xb5: {  	_ =	swait.ge [sflag:s3], $0xD00  }
0xb6: {  	s0 =	rddreg [dreg:$0x1d]  }
0xb7: {  	s7 =	rddreg [dreg:$0x1b]  }
0xb8: {  	s8 =	rddreg [dreg:$0x19]  }
0xb9: {  	s9 =	rddreg [dreg:$0x17]  }
0xba: {  	s10 =	rddreg [dreg:$0x15]  }
0xbb: {  	s11 =	rddreg [dreg:$0x13]  }
0xbc: {  	s12 =	rddreg [dreg:$0x11]  }
0xbd: {  	s13 =	rddreg [dreg:$0xf]  }
0xbe: {  	s14 =	rddreg [dreg:$0xd]  }
0xbf: {  	s15 =	rddreg [dreg:$0xb]  }
0xc0: {  	s16 =	rddreg [dreg:$0x6];
	[sflag:s3] =	ssyncset.done $0x0  }
0xc1: {  	s17 =	rddreg [dreg:$0x5];
	[sflag:s3] =	ssyncadd.s32 $0xFFFFF300  }
0xc2: {  	[tilespmem:s4], [sflag:$0x1] =	stream.indirect.gather [hbm4b:s5+s6], $0x20, s2, s6, $0xb8;
	[tilespmem:$0x1AD00] =	vst v63  }
0xc3: {  	s18 =	rddreg [dreg:$0x7]  }
0xc4: {  	[tilespmem:s17], [sflag:$0x1] =	stream.indirect.gather [hbm4b:s5+s6], $0x20, s6, s6, $0xb8;
	[tilespmem:$0x1AD00] =	vst v63  }
0xc5: {  	s19 =	rddreg [dreg:$0x9]  }
0xc6: {  	[tilespmem:s18], [sflag:$0x1] =	stream.indirect.gather [hbm4b:s5+s6], $0x20, s16, s6, $0xb8;
	[tilespmem:$0x1AD00] =	vst v63  }
0xc7: {  	s17 =	rddreg [dreg:$0x8]  }
0xc8: {  	[tilespmem:s19], [sflag:$0x1] =	stream.indirect.gather [hbm4b:s5+s6], $0x20, s17, s6, $0xb8;
	[tilespmem:$0x1AD00] =	vst v63  }
0xc9: {  	s18 =	rddreg [dreg:$0xa]  }
0xca: {  	[tilespmem:s15], [sflag:$0x1] =	stream.indirect.gather [hbm4b:s5+s6], $0x20, s18, s6, $0xb8;
	[tilespmem:$0x1AD00] =	vst v63  }
0xcb: {  	s19 =	rddreg [dreg:$0xc]  }
0xcc: {  	[tilespmem:s14], [sflag:$0x1] =	stream.indirect.gather [hbm4b:s5+s6], $0x20, s19, s6, $0xb8;
	[tilespmem:$0x1AD00] =	vst v63  }
0xcd: {  	s16 =	rddreg [dreg:$0xe]  }
0xce: {  	[tilespmem:s13], [sflag:$0x1] =	stream.indirect.gather [hbm4b:s5+s6], $0x20, s16, s6, $0xb8;
	[tilespmem:$0x1AD00] =	vst v63  }
0xcf: {  	s17 =	rddreg [dreg:$0x10]  }
0xd0: {  	[tilespmem:s12], [sflag:$0x1] =	stream.indirect.gather [hbm4b:s5+s6], $0x20, s17, s6, $0xb8;
	[tilespmem:$0x1AD00] =	vst v63  }
0xd1: {  	s18 =	rddreg [dreg:$0x12]  }
0xd2: {  	[tilespmem:s11], [sflag:$0x1] =	stream.indirect.gather [hbm4b:s5+s6], $0x20, s18, s6, $0xb8;
	[tilespmem:$0x1AD00] =	vst v63  }
0xd3: {  	s19 =	rddreg [dreg:$0x14]  }
0xd4: {  	[tilespmem:s10], [sflag:$0x1] =	stream.indirect.gather [hbm4b:s5+s6], $0x20, s19, s6, $0xb8;
	[tilespmem:$0x1AD00] =	vst v63  }
0xd5: {  	s14 =	rddreg [dreg:$0x16]  }
0xd6: {  	[tilespmem:s9], [sflag:$0x1] =	stream.indirect.gather [hbm4b:s5+s6], $0x20, s14, s6, $0xb8;
	[tilespmem:$0x1AD00] =	vst v63  }
0xd7: {  	s15 =	rddreg [dreg:$0x18]  }
0xd8: {  	[tilespmem:s8], [sflag:$0x1] =	stream.indirect.gather [hbm4b:s5+s6], $0x20, s15, s6, $0xb8;
	[tilespmem:$0x1AD00] =	vst v63  }
0xd9: {  	s16 =	rddreg [dreg:$0x1a]  }
0xda: {  	[tilespmem:s7], [sflag:$0x1] =	stream.indirect.gather [hbm4b:s5+s6], $0x20, s16, s6, $0xb8;
	[tilespmem:$0x1AD00] =	vst v63  }
0xdb: {  	s17 =	rddreg [dreg:$0x1c]  }
0xdc: {  	[tilespmem:s0], [sflag:$0x1] =	stream.indirect.gather [hbm4b:s5+s6], $0x20, s17, s6, $0xb8;
	[tilespmem:$0x1AD00] =	vst v63  }
0xdd: {  	s18 =	rddreg [dreg:$0x1e];
	s19 =	simm.s32 $0xED00  }
0xde: {  	[tilespmem:s19], [sflag:$0x1] =	stream.indirect.gather [hbm4b:s5+s6], $0x20, s18, s6, $0xb8;
	[tilespmem:$0x1AD00] =	vst v63  }
0xdf: {  	s9 =	simm.s32 $0xFD00;
	s8 =	simm.s32 $0x780  }
0xe0: {  	[tilespmem:s9], [sflag:$0x1] =	stream.indirect.gather [hbm4b:s5+s6], $0x20, s8, s6, $0xb8;
	[tilespmem:$0x1AD00] =	vst v63  }
0xe1: {  	s11 =	simm.s32 $0x10D00;
	s10 =	simm.s32 $0x800  }
0xe2: {  	[tilespmem:s11], [sflag:$0x1] =	stream.indirect.gather [hbm4b:s5+s6], $0x20, s10, s6, $0xb8;
	[tilespmem:$0x1AD00] =	vst v63  }
0xe3: {  	s13 =	simm.s32 $0x11D00;
	s12 =	simm.s32 $0x880  }
0xe4: {  	[tilespmem:s13], [sflag:$0x1] =	stream.indirect.gather [hbm4b:s5+s6], $0x20, s12, s6, $0xb8;
	[tilespmem:$0x1AD00] =	vst v63  }
0xe5: {  	s14 =	simm.s32 $0x900;
	s15 =	simm.s32 $0x12D00  }
0xe6: {  	[tilespmem:s15], [sflag:$0x1] =	stream.indirect.gather [hbm4b:s5+s6], $0x20, s14, s6, $0xb8;
	[tilespmem:$0x1AD00] =	vst v63  }
0xe7: {  	s16 =	simm.s32 $0x980;
	s17 =	simm.s32 $0x13D00  }
0xe8: {  	[tilespmem:s17], [sflag:$0x1] =	stream.indirect.gather [hbm4b:s5+s6], $0x20, s16, s6, $0xb8;
	[tilespmem:$0x1AD00] =	vst v63  }
0xe9: {  	s18 =	simm.s32 $0xA00;
	s19 =	simm.s32 $0x14D00  }
0xea: {  	[tilespmem:s19], [sflag:$0x1] =	stream.indirect.gather [hbm4b:s5+s6], $0x20, s18, s6, $0xb8;
	[tilespmem:$0x1AD00] =	vst v63  }
0xeb: {  	_ = 	snop  }
0xec: {  	[tilespmem:s21], [sflag:$0x1] =	stream.indirect.gather [hbm4b:s5+s6], $0x20, s20, s6, $0xb8;
	[tilespmem:$0x1AD00] =	vst v63  }
0xed: {  	_ = 	snop  }
0xee: {  	[tilespmem:s23], [sflag:$0x1] =	stream.indirect.gather [hbm4b:s5+s6], $0x20, s22, s6, $0xb8;
	[tilespmem:$0x1AD00] =	vst v63  }
0xef: {  	_ = 	snop  }
0xf0: {  	[tilespmem:s26], [sflag:$0x1] =	stream.indirect.gather [hbm4b:s5+s6], $0x20, s25, s6, $0xb8;
	[tilespmem:$0x1AD00] =	vst v63  }
0xf1: {  	_ = 	snop  }
0xf2: {  	[tilespmem:s29], [sflag:$0x1] =	stream.indirect.gather [hbm4b:s5+s6], $0x20, s28, s6, $0xb8;
	[tilespmem:$0x1AD00] =	vst v63  }
0xf3: {  	_ = 	snop  }
0xf4: {  	[tilespmem:s31], [sflag:$0x1] =	stream.indirect.gather [hbm4b:s5+s6], $0x20, s30, s6, $0xb8;
	[tilespmem:$0x1AD00] =	vst v63  }
0xf5: {  	_ =	swait.ge [sflag:s24], $0x1000  }
0xf6: {  	[sflag:s24] =	ssyncset.done $0x0  }
0xf7: {  	[sflag:s24] =	ssyncadd.s32 $0xFFFFF000  }
0xf8: {  	_ =	swait.ge [sflag:s24], $0x1000  }
0xf9: {  	[sflag:s24] =	ssyncset.done $0x0  }
0xfa: {  	[sflag:s24] =	ssyncadd.s32 $0xFFFFF000  }
0xfb: {  	_ =	swait.ge [sflag:s24], $0x1000  }
0xfc: {  	[sflag:s24] =	ssyncset.done $0x0  }
0xfd: {  	[sflag:s24] =	ssyncadd.s32 $0xFFFFF000  }
0xfe: {  	_ =	swait.ge [sflag:s24], $0x1000  }
0xff: {  	[sflag:s24] =	ssyncset.done $0x0  }
0x100: {  	[sflag:s24] =	ssyncadd.s32 $0xFFFFF000  }
0x101: {  	_ =	swait.ge [sflag:s24], $0x1000  }
0x102: {  	[sflag:s24] =	ssyncset.done $0x0  }
0x103: {  	[sflag:s24] =	ssyncadd.s32 $0xFFFFF000  }
0x104: {  	_ =	swait.ge [sflag:s24], $0x1000  }
0x105: {  	[sflag:s24] =	ssyncset.done $0x0  }
0x106: {  	[sflag:s24] =	ssyncadd.s32 $0xFFFFF000  }
0x107: {  	_ =	swait.ge [sflag:s24], $0x1000  }
0x108: {  	[sflag:s24] =	ssyncset.done $0x0  }
0x109: {  	[sflag:s24] =	ssyncadd.s32 $0xFFFFF000  }
0x10a: {  	_ =	swait.ge [sflag:s24], $0x1000  }
0x10b: {  	[sflag:s24] =	ssyncset.done $0x0  }
0x10c: {  	[sflag:s24] =	ssyncadd.s32 $0xFFFFF000  }
0x10d: {  	_ =	swait.ge [sflag:s24], $0x1000  }
0x10e: {  	[sflag:s24] =	ssyncset.done $0x0  }
0x10f: {  	[sflag:s24] =	ssyncadd.s32 $0xFFFFF000  }
0x110: {  	_ =	swait.ge [sflag:s24], $0x1000  }
0x111: {  	[sflag:s24] =	ssyncset.done $0x0  }
0x112: {  	[sflag:s24] =	ssyncadd.s32 $0xFFFFF000  }
0x113: {  	_ =	swait.ge [sflag:s24], $0x1000  }
0x114: {  	[sflag:s24] =	ssyncset.done $0x0  }
0x115: {  	[sflag:s24] =	ssyncadd.s32 $0xFFFFF000  }
0x116: {  	_ =	swait.ge [sflag:s24], $0x1000  }
0x117: {  	[sflag:s24] =	ssyncset.done $0x0  }
0x118: {  	[sflag:s24] =	ssyncadd.s32 $0xFFFFF000  }
0x119: {  	_ =	swait.ge [sflag:s24], $0x1000  }
0x11a: {  	[sflag:s24] =	ssyncset.done $0x0  }
0x11b: {  	[sflag:s24] =	ssyncadd.s32 $0xFFFFF000  }
0x11c: {  	_ =	swait.ge [sflag:s24], $0x1000  }
0x11d: {  	[sflag:s24] =	ssyncset.done $0x0  }
0x11e: {  	[sflag:s24] =	ssyncadd.s32 $0xFFFFF000  }
0x11f: {  	_ =	swait.ge [sflag:s24], $0x1000  }
0x120: {  	[sflag:s24] =	ssyncset.done $0x0  }
0x121: {  	[sflag:s24] =	ssyncadd.s32 $0xFFFFF000  }
0x122: {  	_ =	swait.ge [sflag:s24], $0x1000  }
0x123: {  	[sflag:s24] =	ssyncset.done $0x0  }
0x124: {  	[sflag:s24] =	ssyncadd.s32 $0xFFFFF000  }
0x125: {  	_ =	swait.ge [sflag:s24], $0x1000  }
0x126: {  	[sflag:s24] =	ssyncset.done $0x0  }
0x127: {  	[sflag:s24] =	ssyncadd.s32 $0xFFFFF000  }
0x128: {  	_ =	swait.ge [sflag:s24], $0x1000  }
0x129: {  	[sflag:s24] =	ssyncset.done $0x0  }
0x12a: {  	[sflag:s24] =	ssyncadd.s32 $0xFFFFF000  }
0x12b: {  	_ =	swait.ge [sflag:s24], $0x1000  }
0x12c: {  	[sflag:s24] =	ssyncset.done $0x0  }
0x12d: {  	[sflag:s24] =	ssyncadd.s32 $0xFFFFF000  }
0x12e: {  	_ =	swait.ge [sflag:s24], $0x1000  }
0x12f: {  	[sflag:s24] =	ssyncset.done $0x0  }
0x130: {  	[sflag:s24] =	ssyncadd.s32 $0xFFFFF000  }
0x131: {  	_ =	swait.ge [sflag:s24], $0x1000  }
0x132: {  	[sflag:s24] =	ssyncset.done $0x0  }
0x133: {  	[sflag:s24] =	ssyncadd.s32 $0xFFFFF000  }
0x134: {  	_ =	swait.ge [sflag:s24], $0x1000  }
0x135: {  	p0 =	sne.s32 s1, $0x1;
	[sflag:s24] =	ssyncset.done $0x0  }
.Ltmp1:
0x136: {  	[sflag:s24] =	ssyncadd.s32 $0xFFFFF000;
	(pc) =	sbr.rel @p0 .LBB2_1-.Ltmp1, $4  }
0x137: {  	_ =	swait.ge [sflag:s24], $0x1000  }
0x138: {  	[sflag:s24] =	ssyncset.done $0x0  }
0x139: {  	[sflag:s24] =	ssyncadd.s32 $0xFFFFF000  }
0x13a: {  	s1 =	sadd.s32 $0xFFFFFFFF, s1;
	_ =	swait.ge [sflag:s24], $0x1000  }
.LBB2_2:
0x13b: {  	[sflag:s24] =	ssyncset.done $0x0  }
0x13c: {  	[sflag:s24] =	ssyncadd.s32 $0xFFFFF000  }
0x13d: {  	_ =	swait.ge [sflag:s24], $0x1000  }
0x13e: {  	[sflag:s24] =	ssyncset.done $0x0  }
0x13f: {  	[sflag:s24] =	ssyncadd.s32 $0xFFFFF000  }
0x140: {  	_ =	swait.ge [sflag:s24], $0x1000  }
0x141: {  	[sflag:s24] =	ssyncset.done $0x0  }
0x142: {  	s0 =	rddreg [dreg:$0x4];
	[sflag:s24] =	ssyncadd.s32 $0xFFFFF000  }
0x143: {  	[hbm4b:s0+s2] =	stream.linear.scatter [tilespmem:s4], [sflag:$0x2], $0x1A000, $0x38;
	[tilespmem:$0x1AD00] =	vst v63  }
0x144: {  	_ =	swait.ge [sflag:s3], $0x1A000  }
0x145: {  	[sflag:s3] =	ssyncset.done $0x0  }
0x146: {  	[sflag:s3] =	ssyncadd.s32 $0xFFFE6000  }
0x147: {  	_ =	sfence.sel $0x180000  }
0x148: {  	[bflag:$0x0] =	sbarrier.arrive $0xFFFF  }
0x149: {  	_ =	strace $0x90000047  }
0x14a: {  	s31 =	stileid.u32;
	[bflag:$0x2] =	sbarrier.arrive $0xFFFF  }
0x14b: {  	p0 =	sne.s32 s31, $0x0;
	s0 =	rddreg [dreg:$0x2]  }
0x14c: {  	s0 =	sadd.s32 @!p0 $0x100000, s0  }
0x14d: {  	[sflag:s0] =	ssyncadd.tile.s32 @!p0 $0x1;
	_ =	shalt  }
.Lfunc_end2:
_tile_overlayer_lowered:
.L_overlay_start_2:
0x14e: {  	(tag) =	ssettag $0x2  }
0x14f: {  	s0 =	rddreg [dreg:$0x0];
	s2 =	stileid.u32  }
0x150: {  	s1 =	rddreg [dreg:$0x1];
	p0 =	sne.s32 s2, $0x0  }
0x151: {  	s3 =	rddreg [dreg:$0x2];
	[bflag:$0x3] =	sbarrier.arrive $0xFFFF;
	s2 =	simm.s32 @!p0 $0x1C02  }
0x152: {  	[timem:s3], [sflag:s2] =	dma.local @!p0 [hbm:s0], s1  }
0x153: {  	s0 =	simm.s32 @!p0 $0x2  }
0x154: {  	_ =	swait.ge @!p0 [sflag:s0], s1  }
0x155: {  	s1 =	ssub.s32 @!p0 $0x0, s1;
	[sflag:s0] =	ssyncset.done @!p0 $0x0  }
0x156: {  	[sflag:s0] =	ssyncadd.s32 @!p0 s1  }
0x157: {  	[bflag:$0x3] =	sbarrier.arrive $0xFFFF  }
0x158: {  	_ =	shalt  }

</sc_bundles>
